<compile_context>
chip_gen: v7x
topology: tpu7x:2x2x1
jax: 0.10.2.dev20260603
libtpu: 0.0.44.dev20260713+nightly
codegen_flags: <defaults>
</compile_context>

<pallas_src>
import functools

import jax
import jax.numpy as jnp
from jax import lax
from jax.experimental import pallas as pl
from jax.experimental.pallas import tpu as pltpu
from jax.experimental.pallas import tpu_sc as plsc

BATCH = 4096
HIST = 200
DIM = 64
TOTAL = BATCH * HIST
NUM_EMB = 1000000

_INFO = plsc.get_sparse_core_info()
NC = _INFO.num_cores
NS = _INFO.num_subcores
NW = NC * NS
B_W = BATCH // NW
NBUF = 4
NOUTER = HIST // NBUF

TBLK = 16384
HBLK = 8


def _eye(n):
    r = lax.broadcasted_iota(jnp.int32, (n, n), 0)
    c = lax.broadcasted_iota(jnp.int32, (n, n), 1)
    return (r == c).astype(jnp.float32)


SPLIT = 31 * TBLK


def _tc_table_transpose(wt):
    grid = SPLIT // TBLK

    def body(xa_ref, xb_ref, o_ref):
        ident = _eye(2 * DIM)
        x2 = jnp.concatenate([xa_ref[...], xb_ref[...]], axis=0)
        o_ref[...] = lax.dot_general(
            x2, ident, (((0,), (0,)), ((), ())),
            preferred_element_type=jnp.float32)

    return pl.pallas_call(
        body,
        grid=(grid,),
        in_specs=[
            pl.BlockSpec((DIM, TBLK), lambda k: (0, k)),
            pl.BlockSpec((DIM, TBLK), lambda k: (0, k + 31)),
        ],
        out_specs=pl.BlockSpec((TBLK, 2 * DIM), lambda k: (k, 0)),
        out_shape=jax.ShapeDtypeStruct((SPLIT, 2 * DIM), jnp.float32),
        compiler_params=pltpu.CompilerParams(vmem_limit_bytes=100 * 2**20),
    )(wt, wt)


HB = BATCH // 2


def _tc_out_convert(arr3):

    def body(x_ref, o_ref):
        ident = _eye(2 * DIM)
        for i in range(HBLK):
            x2 = x_ref[i]
            y = lax.dot_general(
                ident, x2, (((1,), (1,)), ((), ())),
                preferred_element_type=jnp.float32)
            o_ref[i] = jnp.concatenate([y[:DIM], y[DIM:]], axis=1)

    return pl.pallas_call(
        body,
        grid=(HIST // HBLK,),
        in_specs=[pl.BlockSpec((HBLK, HB, 2 * DIM), lambda h: (h, 0, 0))],
        out_specs=pl.BlockSpec((HBLK, DIM, BATCH), lambda h: (h, 0, 0)),
        out_shape=jax.ShapeDtypeStruct((HIST, DIM, BATCH), jnp.float32),
        compiler_params=pltpu.CompilerParams(vmem_limit_bytes=100 * 2**20),
    )(arr3)


def _sc_gather(idx2d, table):
    mesh = plsc.VectorSubcoreMesh(core_axis_name="c", subcore_axis_name="s")

    @functools.partial(
        pl.kernel,
        mesh=mesh,
        out_type=jax.ShapeDtypeStruct((HIST * (BATCH // 2), 2, DIM),
                                      jnp.float32),
        scratch_types=[
            pltpu.VMEM((HIST, B_W), jnp.int32),
            pltpu.VMEM((NBUF, B_W, DIM), jnp.float32),
            pltpu.SemaphoreType.DMA,
            pltpu.SemaphoreType.DMA,
            pltpu.SemaphoreType.DMA,
            pltpu.SemaphoreType.DMA,
            pltpu.SemaphoreType.DMA,
            pltpu.SemaphoreType.DMA,
            pltpu.SemaphoreType.DMA,
            pltpu.SemaphoreType.DMA,
        ],
        compiler_params=pltpu.CompilerParams(use_tc_tiling_on_sc=False),
    )
    def k(idx_hbm, table_hbm, out_hbm, idx_v, rows, *sems):
        sg = sems[:NBUF]
        sw = sems[NBUF:]
        wid = lax.axis_index("s") * NC + lax.axis_index("c")
        b0 = wid * B_W
        pltpu.sync_copy(idx_hbm.at[:, pl.ds(b0, B_W)], idx_v)

        def remap(h, carry):
            for g in range(B_W // 16):
                v = idx_v[h, pl.ds(g * 16, 16)]
                idx_v[h, pl.ds(g * 16, 16)] = jnp.where(
                    v < SPLIT, 2 * v, 2 * v - (2 * SPLIT - 1))
            return carry

        lax.fori_loop(0, HIST, remap, 0)

        def gather_start(h, s):
            pltpu.async_copy(table_hbm.at[idx_v.at[h]], rows.at[s], sg[s])

        def gather_wait(s):
            pltpu.make_async_copy(table_hbm.at[idx_v.at[0]], rows.at[s],
                                  sg[s]).wait()

        q = b0 // (BATCH // 2)
        p_off = b0 % (BATCH // 2)

        def wb_start(h, s):
            pltpu.async_copy(
                rows.at[s],
                out_hbm.at[pl.ds(h * (BATCH // 2) + p_off, B_W), q], sw[s])

        def wb_wait(s):
            pltpu.make_async_copy(rows.at[s], out_hbm.at[pl.ds(0, B_W), q],
                                  sw[s]).wait()

        for s in range(NBUF):
            gather_start(s, s)

        def outer(jo, carry):
            for s in range(NBUF):
                h = jo * NBUF + s
                gather_wait(s)
                wb_start(h, s)
                nh = h + NBUF

                @pl.when(nh < HIST)
                def _():
                    wb_wait(s)
                    gather_start(nh, s)

            return carry

        lax.fori_loop(0, NOUTER, outer, 0)
        for s in range(NBUF):
            wb_wait(s)

    return k(idx2d, table)


def kernel(channel_seq, W):
    table = _tc_table_transpose(W.T).reshape(2 * SPLIT, DIM)
    out_mid = _sc_gather(channel_seq.T, table)
    outp = _tc_out_convert(out_mid.reshape(HIST, BATCH // 2, 2 * DIM))
    return outp.transpose(2, 0, 1)

# --- scband reference (transcript-rebuilt; emitter-appended) ---
"""Pipeline reference for scband-channel-embedding-discrete-26534307955174 (READ-ONLY COPY).

The authoritative reference and input builder live on the scoring server;
editing this copy changes nothing except your own understanding.
"""

import jax, jax.numpy as jnp
import numpy as np

NUM_EMBEDDINGS = 1000000
EMBED_DIM = 64
BATCH = 4096
HIST_LEN = 200


def setup_inputs(seed: int = 0) -> dict:
    key = jax.random.key(seed)
    k_idx, k_w = jax.random.split(key)
    channel_seq = jax.random.randint(k_idx, (BATCH, HIST_LEN), 0, NUM_EMBEDDINGS, dtype=jnp.int64 if jax.config.jax_enable_x64 else jnp.int32)
    W = jax.random.normal(k_w, (NUM_EMBEDDINGS, EMBED_DIM), dtype=jnp.float32)
    return {"channel_seq": channel_seq, "W": W}


def reference(channel_seq, W):
    # nn.Embedding forward: gather rows of the table by index
    return jnp.take(W, channel_seq, axis=0)

if __name__ == "__main__":
    import jax
    _d = setup_inputs()
    print(jax.jit(kernel)(*tuple(_d.values())))

</pallas_src>

<mosaic_0001>
#map = affine_map<(d0, d1) -> (0, 0)>
#map1 = affine_map<(d0, d1) -> (0, 0, 0)>
module attributes {stable_mosaic.version = 14 : i64} {
  func.func @k(%arg0: i32, %arg1: i32, %arg2: memref<200x4096xi32, #tpu.memory_space<hbm>>, %arg3: memref<1015808x64xf32, #tpu.memory_space<hbm>>, %arg4: memref<409600x2x64xf32, #tpu.memory_space<hbm>>, %arg5: memref<200x128xi32, #tpu.memory_space<vmem>>, %arg6: memref<4x128x64xf32, #tpu.memory_space<vmem>>, %arg7: memref<!tpu.dma_semaphore, #tpu.memory_space<semaphore_mem>>, %arg8: memref<!tpu.dma_semaphore, #tpu.memory_space<semaphore_mem>>, %arg9: memref<!tpu.dma_semaphore, #tpu.memory_space<semaphore_mem>>, %arg10: memref<!tpu.dma_semaphore, #tpu.memory_space<semaphore_mem>>, %arg11: memref<!tpu.dma_semaphore, #tpu.memory_space<semaphore_mem>>, %arg12: memref<!tpu.dma_semaphore, #tpu.memory_space<semaphore_mem>>, %arg13: memref<!tpu.dma_semaphore, #tpu.memory_space<semaphore_mem>>, %arg14: memref<!tpu.dma_semaphore, #tpu.memory_space<semaphore_mem>>) attributes {dimension_semantics = [#tpu.dimension_semantics<core_parallel>, #tpu.dimension_semantics<subcore_parallel>], iteration_bounds = array<i64: 2, 16>, scalar_prefetch = 0 : i64, scratch_operands = 10 : i64, tpu.core_type = #tpu.core_type<sc_vector_subcore>, window_params = [{transform_indices = #map}, {transform_indices = #map}, {transform_indices = #map1}]} {
    %mul3A = arith.constant 2 : i32
    %mul3A_0 = arith.muli %arg1, %mul3A : i32
    %add3A = arith.addi %mul3A_0, %arg0 : i32
    %mul3A_1 = arith.constant 128 : i32
    %mul3A_2 = arith.muli %add3A, %mul3A_1 : i32
    "tpu.region"() ({
      %run_scoped3A = tpu.sem_alloc : memref<!tpu.dma_semaphore, #tpu.memory_space<semaphore_mem>>
      %dma_start3A_158 = arith.constant 0 : i32
      %dma_start3A_159 = tpu.memref_slice %arg2[%dma_start3A_158, %mul3A_2] : memref<200x4096xi32, #tpu.memory_space<hbm>> -> memref<200x128xi32, #tpu.memory_space<hbm>>
      %dma_start3A_160 = arith.constant 0 : i32
      %dma_start3A_161 = tpu.memref_slice %arg2[%dma_start3A_160, %mul3A_2] : memref<200x4096xi32, #tpu.memory_space<hbm>> -> memref<200x128xi32, #tpu.memory_space<hbm>>
      tpu.enqueue_dma source(%dma_start3A_161 : memref<200x128xi32, #tpu.memory_space<hbm>>) target(%arg5 : memref<200x128xi32, #tpu.memory_space<vmem>>) target_semaphore(%run_scoped3A : memref<!tpu.dma_semaphore, #tpu.memory_space<semaphore_mem>>)
      %dma_wait3A_162 = arith.constant 0 : i32
      %dma_wait3A_163 = tpu.memref_slice %arg2[%dma_wait3A_162, %mul3A_2] : memref<200x4096xi32, #tpu.memory_space<hbm>> -> memref<200x128xi32, #tpu.memory_space<hbm>>
      %dma_wait3A_164 = arith.constant 0 : i32
      %dma_wait3A_165 = tpu.memref_slice %arg2[%dma_wait3A_164, %mul3A_2] : memref<200x4096xi32, #tpu.memory_space<hbm>> -> memref<200x128xi32, #tpu.memory_space<hbm>>
      tpu.wait_dma2 semaphore(%run_scoped3A : memref<!tpu.dma_semaphore, #tpu.memory_space<semaphore_mem>>) src(%dma_wait3A_165 : memref<200x128xi32, #tpu.memory_space<hbm>>) dst(%arg5 : memref<200x128xi32, #tpu.memory_space<vmem>>)
      tpu.yield
    }) : () -> ()
    %scan3A = arith.constant 0 : i32
    %scan3A_3 = arith.constant 0 : i32
    %scan3A_4 = arith.constant 200 : i32
    %scan3A_5 = arith.addi %scan3A_3, %scan3A_4 : i32
    %scan3A_6 = arith.constant 1 : i32
    scf.for %scan3A_158 = %scan3A_3 to %scan3A_5 step %scan3A_6  : i32 {
      %get3A = arith.index_cast %scan3A_158 : i32 to index
      %get3A_159 = arith.constant 0 : index
      %get3A_160 = tpu.vector_load %arg5[%get3A, %get3A_159] {strides = array<i32>} : memref<200x128xi32, #tpu.memory_space<vmem>>, vector<1x16xi32>,
      %get3A_161 = vector.shape_cast %get3A_160 : vector<1x16xi32> to vector<16xi32>
      %lt3A_162 = arith.constant 507904 : i32
      %lt3A_163 = vector.broadcast %lt3A_162 : i32 to vector<16xi32>
      %lt3A_164 = arith.cmpi slt, %get3A_161, %lt3A_163 : vector<16xi32>
      %mul3A_165 = arith.constant 2 : i32
      %mul3A_166 = vector.broadcast %mul3A_165 : i32 to vector<16xi32>
      %mul3A_167 = arith.muli %mul3A_166, %get3A_161 : vector<16xi32>
      %mul3A_168 = arith.constant 2 : i32
      %mul3A_169 = vector.broadcast %mul3A_168 : i32 to vector<16xi32>
      %mul3A_170 = arith.muli %mul3A_169, %get3A_161 : vector<16xi32>
      %sub3A_171 = arith.constant 1015807 : i32
      %sub3A_172 = vector.broadcast %sub3A_171 : i32 to vector<16xi32>
      %sub3A_173 = arith.subi %mul3A_170, %sub3A_172 : vector<16xi32>
      %select_n3A_174 = arith.select %lt3A_164, %mul3A_167, %sub3A_173 : vector<16xi1>, vector<16xi32>
      %swap3A = arith.index_cast %scan3A_158 : i32 to index
      %swap3A_175 = arith.constant 0 : index
      %swap3A_176 = tpu.vector_load %arg5[%swap3A, %swap3A_175] {strides = array<i32>} : memref<200x128xi32, #tpu.memory_space<vmem>>, vector<1x16xi32>,
      %swap3A_177 = vector.shape_cast %swap3A_176 : vector<1x16xi32> to vector<16xi32>
      %swap3A_178 = vector.shape_cast %select_n3A_174 : vector<16xi32> to vector<1x16xi32>
      tpu.vector_store %arg5[%swap3A, %swap3A_175], %swap3A_178 {strides = array<i32>} : memref<200x128xi32, #tpu.memory_space<vmem>>, vector<1x16xi32>,
      %get3A_179 = arith.index_cast %scan3A_158 : i32 to index
      %get3A_180 = arith.constant 16 : index
      %get3A_181 = tpu.vector_load %arg5[%get3A_179, %get3A_180] {strides = array<i32>} : memref<200x128xi32, #tpu.memory_space<vmem>>, vector<1x16xi32>,
      %get3A_182 = vector.shape_cast %get3A_181 : vector<1x16xi32> to vector<16xi32>
      %lt3A_183 = arith.constant 507904 : i32
      %lt3A_184 = vector.broadcast %lt3A_183 : i32 to vector<16xi32>
      %lt3A_185 = arith.cmpi slt, %get3A_182, %lt3A_184 : vector<16xi32>
      %mul3A_186 = arith.constant 2 : i32
      %mul3A_187 = vector.broadcast %mul3A_186 : i32 to vector<16xi32>
      %mul3A_188 = arith.muli %mul3A_187, %get3A_182 : vector<16xi32>
      %mul3A_189 = arith.constant 2 : i32
      %mul3A_190 = vector.broadcast %mul3A_189 : i32 to vector<16xi32>
      %mul3A_191 = arith.muli %mul3A_190, %get3A_182 : vector<16xi32>
      %sub3A_192 = arith.constant 1015807 : i32
      %sub3A_193 = vector.broadcast %sub3A_192 : i32 to vector<16xi32>
      %sub3A_194 = arith.subi %mul3A_191, %sub3A_193 : vector<16xi32>
      %select_n3A_195 = arith.select %lt3A_185, %mul3A_188, %sub3A_194 : vector<16xi1>, vector<16xi32>
      %swap3A_196 = arith.index_cast %scan3A_158 : i32 to index
      %swap3A_197 = arith.constant 16 : index
      %swap3A_198 = tpu.vector_load %arg5[%swap3A_196, %swap3A_197] {strides = array<i32>} : memref<200x128xi32, #tpu.memory_space<vmem>>, vector<1x16xi32>,
      %swap3A_199 = vector.shape_cast %swap3A_198 : vector<1x16xi32> to vector<16xi32>
      %swap3A_200 = vector.shape_cast %select_n3A_195 : vector<16xi32> to vector<1x16xi32>
      tpu.vector_store %arg5[%swap3A_196, %swap3A_197], %swap3A_200 {strides = array<i32>} : memref<200x128xi32, #tpu.memory_space<vmem>>, vector<1x16xi32>,
      %get3A_201 = arith.index_cast %scan3A_158 : i32 to index
      %get3A_202 = arith.constant 32 : index
      %get3A_203 = tpu.vector_load %arg5[%get3A_201, %get3A_202] {strides = array<i32>} : memref<200x128xi32, #tpu.memory_space<vmem>>, vector<1x16xi32>,
      %get3A_204 = vector.shape_cast %get3A_203 : vector<1x16xi32> to vector<16xi32>
      %lt3A_205 = arith.constant 507904 : i32
      %lt3A_206 = vector.broadcast %lt3A_205 : i32 to vector<16xi32>
      %lt3A_207 = arith.cmpi slt, %get3A_204, %lt3A_206 : vector<16xi32>
      %mul3A_208 = arith.constant 2 : i32
      %mul3A_209 = vector.broadcast %mul3A_208 : i32 to vector<16xi32>
      %mul3A_210 = arith.muli %mul3A_209, %get3A_204 : vector<16xi32>
      %mul3A_211 = arith.constant 2 : i32
      %mul3A_212 = vector.broadcast %mul3A_211 : i32 to vector<16xi32>
      %mul3A_213 = arith.muli %mul3A_212, %get3A_204 : vector<16xi32>
      %sub3A_214 = arith.constant 1015807 : i32
      %sub3A_215 = vector.broadcast %sub3A_214 : i32 to vector<16xi32>
      %sub3A_216 = arith.subi %mul3A_213, %sub3A_215 : vector<16xi32>
      %select_n3A_217 = arith.select %lt3A_207, %mul3A_210, %sub3A_216 : vector<16xi1>, vector<16xi32>
      %swap3A_218 = arith.index_cast %scan3A_158 : i32 to index
      %swap3A_219 = arith.constant 32 : index
      %swap3A_220 = tpu.vector_load %arg5[%swap3A_218, %swap3A_219] {strides = array<i32>} : memref<200x128xi32, #tpu.memory_space<vmem>>, vector<1x16xi32>,
      %swap3A_221 = vector.shape_cast %swap3A_220 : vector<1x16xi32> to vector<16xi32>
      %swap3A_222 = vector.shape_cast %select_n3A_217 : vector<16xi32> to vector<1x16xi32>
      tpu.vector_store %arg5[%swap3A_218, %swap3A_219], %swap3A_222 {strides = array<i32>} : memref<200x128xi32, #tpu.memory_space<vmem>>, vector<1x16xi32>,
      %get3A_223 = arith.index_cast %scan3A_158 : i32 to index
      %get3A_224 = arith.constant 48 : index
      %get3A_225 = tpu.vector_load %arg5[%get3A_223, %get3A_224] {strides = array<i32>} : memref<200x128xi32, #tpu.memory_space<vmem>>, vector<1x16xi32>,
      %get3A_226 = vector.shape_cast %get3A_225 : vector<1x16xi32> to vector<16xi32>
      %lt3A_227 = arith.constant 507904 : i32
      %lt3A_228 = vector.broadcast %lt3A_227 : i32 to vector<16xi32>
      %lt3A_229 = arith.cmpi slt, %get3A_226, %lt3A_228 : vector<16xi32>
      %mul3A_230 = arith.constant 2 : i32
      %mul3A_231 = vector.broadcast %mul3A_230 : i32 to vector<16xi32>
      %mul3A_232 = arith.muli %mul3A_231, %get3A_226 : vector<16xi32>
      %mul3A_233 = arith.constant 2 : i32
      %mul3A_234 = vector.broadcast %mul3A_233 : i32 to vector<16xi32>
      %mul3A_235 = arith.muli %mul3A_234, %get3A_226 : vector<16xi32>
      %sub3A_236 = arith.constant 1015807 : i32
      %sub3A_237 = vector.broadcast %sub3A_236 : i32 to vector<16xi32>
      %sub3A_238 = arith.subi %mul3A_235, %sub3A_237 : vector<16xi32>
      %select_n3A_239 = arith.select %lt3A_229, %mul3A_232, %sub3A_238 : vector<16xi1>, vector<16xi32>
      %swap3A_240 = arith.index_cast %scan3A_158 : i32 to index
      %swap3A_241 = arith.constant 48 : index
      %swap3A_242 = tpu.vector_load %arg5[%swap3A_240, %swap3A_241] {strides = array<i32>} : memref<200x128xi32, #tpu.memory_space<vmem>>, vector<1x16xi32>,
      %swap3A_243 = vector.shape_cast %swap3A_242 : vector<1x16xi32> to vector<16xi32>
      %swap3A_244 = vector.shape_cast %select_n3A_239 : vector<16xi32> to vector<1x16xi32>
      tpu.vector_store %arg5[%swap3A_240, %swap3A_241], %swap3A_244 {strides = array<i32>} : memref<200x128xi32, #tpu.memory_space<vmem>>, vector<1x16xi32>,
      %get3A_245 = arith.index_cast %scan3A_158 : i32 to index
      %get3A_246 = arith.constant 64 : index
      %get3A_247 = tpu.vector_load %arg5[%get3A_245, %get3A_246] {strides = array<i32>} : memref<200x128xi32, #tpu.memory_space<vmem>>, vector<1x16xi32>,
      %get3A_248 = vector.shape_cast %get3A_247 : vector<1x16xi32> to vector<16xi32>
      %lt3A_249 = arith.constant 507904 : i32
      %lt3A_250 = vector.broadcast %lt3A_249 : i32 to vector<16xi32>
      %lt3A_251 = arith.cmpi slt, %get3A_248, %lt3A_250 : vector<16xi32>
      %mul3A_252 = arith.constant 2 : i32
      %mul3A_253 = vector.broadcast %mul3A_252 : i32 to vector<16xi32>
      %mul3A_254 = arith.muli %mul3A_253, %get3A_248 : vector<16xi32>
      %mul3A_255 = arith.constant 2 : i32
      %mul3A_256 = vector.broadcast %mul3A_255 : i32 to vector<16xi32>
      %mul3A_257 = arith.muli %mul3A_256, %get3A_248 : vector<16xi32>
      %sub3A_258 = arith.constant 1015807 : i32
      %sub3A_259 = vector.broadcast %sub3A_258 : i32 to vector<16xi32>
      %sub3A_260 = arith.subi %mul3A_257, %sub3A_259 : vector<16xi32>
      %select_n3A_261 = arith.select %lt3A_251, %mul3A_254, %sub3A_260 : vector<16xi1>, vector<16xi32>
      %swap3A_262 = arith.index_cast %scan3A_158 : i32 to index
      %swap3A_263 = arith.constant 64 : index
      %swap3A_264 = tpu.vector_load %arg5[%swap3A_262, %swap3A_263] {strides = array<i32>} : memref<200x128xi32, #tpu.memory_space<vmem>>, vector<1x16xi32>,
      %swap3A_265 = vector.shape_cast %swap3A_264 : vector<1x16xi32> to vector<16xi32>
      %swap3A_266 = vector.shape_cast %select_n3A_261 : vector<16xi32> to vector<1x16xi32>
      tpu.vector_store %arg5[%swap3A_262, %swap3A_263], %swap3A_266 {strides = array<i32>} : memref<200x128xi32, #tpu.memory_space<vmem>>, vector<1x16xi32>,
      %get3A_267 = arith.index_cast %scan3A_158 : i32 to index
      %get3A_268 = arith.constant 80 : index
      %get3A_269 = tpu.vector_load %arg5[%get3A_267, %get3A_268] {strides = array<i32>} : memref<200x128xi32, #tpu.memory_space<vmem>>, vector<1x16xi32>,
      %get3A_270 = vector.shape_cast %get3A_269 : vector<1x16xi32> to vector<16xi32>
      %lt3A_271 = arith.constant 507904 : i32
      %lt3A_272 = vector.broadcast %lt3A_271 : i32 to vector<16xi32>
      %lt3A_273 = arith.cmpi slt, %get3A_270, %lt3A_272 : vector<16xi32>
      %mul3A_274 = arith.constant 2 : i32
      %mul3A_275 = vector.broadcast %mul3A_274 : i32 to vector<16xi32>
      %mul3A_276 = arith.muli %mul3A_275, %get3A_270 : vector<16xi32>
      %mul3A_277 = arith.constant 2 : i32
      %mul3A_278 = vector.broadcast %mul3A_277 : i32 to vector<16xi32>
      %mul3A_279 = arith.muli %mul3A_278, %get3A_270 : vector<16xi32>
      %sub3A_280 = arith.constant 1015807 : i32
      %sub3A_281 = vector.broadcast %sub3A_280 : i32 to vector<16xi32>
      %sub3A_282 = arith.subi %mul3A_279, %sub3A_281 : vector<16xi32>
      %select_n3A_283 = arith.select %lt3A_273, %mul3A_276, %sub3A_282 : vector<16xi1>, vector<16xi32>
      %swap3A_284 = arith.index_cast %scan3A_158 : i32 to index
      %swap3A_285 = arith.constant 80 : index
      %swap3A_286 = tpu.vector_load %arg5[%swap3A_284, %swap3A_285] {strides = array<i32>} : memref<200x128xi32, #tpu.memory_space<vmem>>, vector<1x16xi32>,
      %swap3A_287 = vector.shape_cast %swap3A_286 : vector<1x16xi32> to vector<16xi32>
      %swap3A_288 = vector.shape_cast %select_n3A_283 : vector<16xi32> to vector<1x16xi32>
      tpu.vector_store %arg5[%swap3A_284, %swap3A_285], %swap3A_288 {strides = array<i32>} : memref<200x128xi32, #tpu.memory_space<vmem>>, vector<1x16xi32>,
      %get3A_289 = arith.index_cast %scan3A_158 : i32 to index
      %get3A_290 = arith.constant 96 : index
      %get3A_291 = tpu.vector_load %arg5[%get3A_289, %get3A_290] {strides = array<i32>} : memref<200x128xi32, #tpu.memory_space<vmem>>, vector<1x16xi32>,
      %get3A_292 = vector.shape_cast %get3A_291 : vector<1x16xi32> to vector<16xi32>
      %lt3A_293 = arith.constant 507904 : i32
      %lt3A_294 = vector.broadcast %lt3A_293 : i32 to vector<16xi32>
      %lt3A_295 = arith.cmpi slt, %get3A_292, %lt3A_294 : vector<16xi32>
      %mul3A_296 = arith.constant 2 : i32
      %mul3A_297 = vector.broadcast %mul3A_296 : i32 to vector<16xi32>
      %mul3A_298 = arith.muli %mul3A_297, %get3A_292 : vector<16xi32>
      %mul3A_299 = arith.constant 2 : i32
      %mul3A_300 = vector.broadcast %mul3A_299 : i32 to vector<16xi32>
      %mul3A_301 = arith.muli %mul3A_300, %get3A_292 : vector<16xi32>
      %sub3A_302 = arith.constant 1015807 : i32
      %sub3A_303 = vector.broadcast %sub3A_302 : i32 to vector<16xi32>
      %sub3A_304 = arith.subi %mul3A_301, %sub3A_303 : vector<16xi32>
      %select_n3A_305 = arith.select %lt3A_295, %mul3A_298, %sub3A_304 : vector<16xi1>, vector<16xi32>
      %swap3A_306 = arith.index_cast %scan3A_158 : i32 to index
      %swap3A_307 = arith.constant 96 : index
      %swap3A_308 = tpu.vector_load %arg5[%swap3A_306, %swap3A_307] {strides = array<i32>} : memref<200x128xi32, #tpu.memory_space<vmem>>, vector<1x16xi32>,
      %swap3A_309 = vector.shape_cast %swap3A_308 : vector<1x16xi32> to vector<16xi32>
      %swap3A_310 = vector.shape_cast %select_n3A_305 : vector<16xi32> to vector<1x16xi32>
      tpu.vector_store %arg5[%swap3A_306, %swap3A_307], %swap3A_310 {strides = array<i32>} : memref<200x128xi32, #tpu.memory_space<vmem>>, vector<1x16xi32>,
      %get3A_311 = arith.index_cast %scan3A_158 : i32 to index
      %get3A_312 = arith.constant 112 : index
      %get3A_313 = tpu.vector_load %arg5[%get3A_311, %get3A_312] {strides = array<i32>} : memref<200x128xi32, #tpu.memory_space<vmem>>, vector<1x16xi32>,
      %get3A_314 = vector.shape_cast %get3A_313 : vector<1x16xi32> to vector<16xi32>
      %lt3A_315 = arith.constant 507904 : i32
      %lt3A_316 = vector.broadcast %lt3A_315 : i32 to vector<16xi32>
      %lt3A_317 = arith.cmpi slt, %get3A_314, %lt3A_316 : vector<16xi32>
      %mul3A_318 = arith.constant 2 : i32
      %mul3A_319 = vector.broadcast %mul3A_318 : i32 to vector<16xi32>
      %mul3A_320 = arith.muli %mul3A_319, %get3A_314 : vector<16xi32>
      %mul3A_321 = arith.constant 2 : i32
      %mul3A_322 = vector.broadcast %mul3A_321 : i32 to vector<16xi32>
      %mul3A_323 = arith.muli %mul3A_322, %get3A_314 : vector<16xi32>
      %sub3A_324 = arith.constant 1015807 : i32
      %sub3A_325 = vector.broadcast %sub3A_324 : i32 to vector<16xi32>
      %sub3A_326 = arith.subi %mul3A_323, %sub3A_325 : vector<16xi32>
      %select_n3A_327 = arith.select %lt3A_317, %mul3A_320, %sub3A_326 : vector<16xi1>, vector<16xi32>
      %swap3A_328 = arith.index_cast %scan3A_158 : i32 to index
      %swap3A_329 = arith.constant 112 : index
      %swap3A_330 = tpu.vector_load %arg5[%swap3A_328, %swap3A_329] {strides = array<i32>} : memref<200x128xi32, #tpu.memory_space<vmem>>, vector<1x16xi32>,
      %swap3A_331 = vector.shape_cast %swap3A_330 : vector<1x16xi32> to vector<16xi32>
      %swap3A_332 = vector.shape_cast %select_n3A_327 : vector<16xi32> to vector<1x16xi32>
      tpu.vector_store %arg5[%swap3A_328, %swap3A_329], %swap3A_332 {strides = array<i32>} : memref<200x128xi32, #tpu.memory_space<vmem>>, vector<1x16xi32>,
    }
    %scan3A_7 = arith.constant 200 : i32
    %jit3A = arith.constant 2048 : i32
    %div3A = arith.divsi %mul3A_2, %jit3A : i32
    %sign3A = arith.constant 0 : i32
    %sign3A_8 = arith.cmpi sgt, %mul3A_2, %sign3A : i32
    %sign3A_9 = arith.extui %sign3A_8 : i1 to i32
    %sign3A_10 = arith.constant 0 : i32
    %sign3A_11 = arith.cmpi slt, %mul3A_2, %sign3A_10 : i32
    %sign3A_12 = arith.extui %sign3A_11 : i1 to i32
    %sign3A_13 = arith.subi %sign3A_9, %sign3A_12 : i32
    %sign3A_14 = arith.constant 0 : i32
    %sign3A_15 = arith.cmpi sgt, %jit3A, %sign3A_14 : i32
    %sign3A_16 = arith.extui %sign3A_15 : i1 to i32
    %sign3A_17 = arith.constant 0 : i32
    %sign3A_18 = arith.cmpi slt, %jit3A, %sign3A_17 : i32
    %sign3A_19 = arith.extui %sign3A_18 : i1 to i32
    %sign3A_20 = arith.subi %sign3A_16, %sign3A_19 : i32
    %ne3A = arith.cmpi ne, %sign3A_13, %sign3A_20 : i32
    %rem3A = arith.remsi %mul3A_2, %jit3A : i32
    %ne3A_21 = arith.constant 0 : i32
    %ne3A_22 = arith.cmpi ne, %rem3A, %ne3A_21 : i32
    %and3A = arith.andi %ne3A, %ne3A_22 : i1
    %sub3A = arith.constant 1 : i32
    %sub3A_23 = arith.subi %div3A, %sub3A : i32
    %select_n3A = arith.select %and3A, %sub3A_23, %div3A : i32
    %jit3A_24 = arith.constant 2048 : i32
    %eq3A = arith.constant 0 : i32
    %eq3A_25 = arith.cmpi eq, %jit3A_24, %eq3A : i32
    %jit3A_26 = arith.constant 1 : i32
    %select_n3A_27 = arith.select %eq3A_25, %jit3A_26, %jit3A_24 : i32
    %rem3A_28 = arith.remsi %mul3A_2, %select_n3A_27 : i32
    %ne3A_29 = arith.constant 0 : i32
    %ne3A_30 = arith.cmpi ne, %rem3A_28, %ne3A_29 : i32
    %lt3A = arith.constant 0 : i32
    %lt3A_31 = arith.cmpi slt, %rem3A_28, %lt3A : i32
    %lt3A_32 = arith.constant 0 : i32
    %lt3A_33 = arith.cmpi slt, %select_n3A_27, %lt3A_32 : i32
    %ne3A_34 = arith.xori %lt3A_31, %lt3A_33 : i1
    %and3A_35 = arith.andi %ne3A_34, %ne3A_30 : i1
    %add3A_36 = arith.addi %rem3A_28, %select_n3A_27 : i32
    %select_n3A_37 = arith.select %and3A_35, %add3A_36, %rem3A_28 : i32
    %dma_start3A = arith.constant 0 : i32
    %dma_start3A_38 = arith.constant 0 : i32
    %dma_start3A_39 = arith.constant 0 : i32
    %dma_start3A_40 = arith.constant 0 : i32
    %dma_start3A_41 = tpu.memref_slice %arg6[%dma_start3A_38, %dma_start3A_39, %dma_start3A_40] : memref<4x128x64xf32, #tpu.memory_space<vmem>> -> memref<1x128x64xf32, #tpu.memory_space<vmem>>
    %dma_start3A_42 = tpu.memref_squeeze %dma_start3A_41 : memref<1x128x64xf32, #tpu.memory_space<vmem>> -> memref<128x64xf32, #tpu.memory_space<vmem>>
    %dma_start3A_43 = arith.constant 0 : i32
    %dma_start3A_44 = tpu.memref_slice %arg5[%dma_start3A, %dma_start3A_43] : memref<200x128xi32, #tpu.memory_space<vmem>> -> memref<1x128xi32, #tpu.memory_space<vmem>>
    %dma_start3A_45 = tpu.memref_squeeze %dma_start3A_44 : memref<1x128xi32, #tpu.memory_space<vmem>> -> memref<128xi32, #tpu.memory_space<vmem>>
    %dma_start3A_46 = arith.constant 0 : i32
    %dma_start3A_47 = arith.constant 0 : i32
    %dma_start3A_48 = tpu.memref_slice %arg3[%dma_start3A_46, %dma_start3A_47] : memref<1015808x64xf32, #tpu.memory_space<hbm>> -> memref<1015808x64xf32, #tpu.memory_space<hbm>>
    tpu.enqueue_indirect_dma source(%dma_start3A_48 : memref<1015808x64xf32, #tpu.memory_space<hbm>>) target(%dma_start3A_42 : memref<128x64xf32, #tpu.memory_space<vmem>>) offsets(%dma_start3A_45 : memref<128xi32, #tpu.memory_space<vmem>>) semaphore(%arg7 : memref<!tpu.dma_semaphore, #tpu.memory_space<semaphore_mem>>)
    %dma_start3A_49 = arith.constant 1 : i32
    %dma_start3A_50 = arith.constant 1 : i32
    %dma_start3A_51 = arith.constant 0 : i32
    %dma_start3A_52 = arith.constant 0 : i32
    %dma_start3A_53 = tpu.memref_slice %arg6[%dma_start3A_50, %dma_start3A_51, %dma_start3A_52] : memref<4x128x64xf32, #tpu.memory_space<vmem>> -> memref<1x128x64xf32, #tpu.memory_space<vmem>>
    %dma_start3A_54 = tpu.memref_squeeze %dma_start3A_53 : memref<1x128x64xf32, #tpu.memory_space<vmem>> -> memref<128x64xf32, #tpu.memory_space<vmem>>
    %dma_start3A_55 = arith.constant 0 : i32
    %dma_start3A_56 = tpu.memref_slice %arg5[%dma_start3A_49, %dma_start3A_55] : memref<200x128xi32, #tpu.memory_space<vmem>> -> memref<1x128xi32, #tpu.memory_space<vmem>>
    %dma_start3A_57 = tpu.memref_squeeze %dma_start3A_56 : memref<1x128xi32, #tpu.memory_space<vmem>> -> memref<128xi32, #tpu.memory_space<vmem>>
    %dma_start3A_58 = arith.constant 0 : i32
    %dma_start3A_59 = arith.constant 0 : i32
    %dma_start3A_60 = tpu.memref_slice %arg3[%dma_start3A_58, %dma_start3A_59] : memref<1015808x64xf32, #tpu.memory_space<hbm>> -> memref<1015808x64xf32, #tpu.memory_space<hbm>>
    tpu.enqueue_indirect_dma source(%dma_start3A_60 : memref<1015808x64xf32, #tpu.memory_space<hbm>>) target(%dma_start3A_54 : memref<128x64xf32, #tpu.memory_space<vmem>>) offsets(%dma_start3A_57 : memref<128xi32, #tpu.memory_space<vmem>>) semaphore(%arg8 : memref<!tpu.dma_semaphore, #tpu.memory_space<semaphore_mem>>)
    %dma_start3A_61 = arith.constant 2 : i32
    %dma_start3A_62 = arith.constant 2 : i32
    %dma_start3A_63 = arith.constant 0 : i32
    %dma_start3A_64 = arith.constant 0 : i32
    %dma_start3A_65 = tpu.memref_slice %arg6[%dma_start3A_62, %dma_start3A_63, %dma_start3A_64] : memref<4x128x64xf32, #tpu.memory_space<vmem>> -> memref<1x128x64xf32, #tpu.memory_space<vmem>>
    %dma_start3A_66 = tpu.memref_squeeze %dma_start3A_65 : memref<1x128x64xf32, #tpu.memory_space<vmem>> -> memref<128x64xf32, #tpu.memory_space<vmem>>
    %dma_start3A_67 = arith.constant 0 : i32
    %dma_start3A_68 = tpu.memref_slice %arg5[%dma_start3A_61, %dma_start3A_67] : memref<200x128xi32, #tpu.memory_space<vmem>> -> memref<1x128xi32, #tpu.memory_space<vmem>>
    %dma_start3A_69 = tpu.memref_squeeze %dma_start3A_68 : memref<1x128xi32, #tpu.memory_space<vmem>> -> memref<128xi32, #tpu.memory_space<vmem>>
    %dma_start3A_70 = arith.constant 0 : i32
    %dma_start3A_71 = arith.constant 0 : i32
    %dma_start3A_72 = tpu.memref_slice %arg3[%dma_start3A_70, %dma_start3A_71] : memref<1015808x64xf32, #tpu.memory_space<hbm>> -> memref<1015808x64xf32, #tpu.memory_space<hbm>>
    tpu.enqueue_indirect_dma source(%dma_start3A_72 : memref<1015808x64xf32, #tpu.memory_space<hbm>>) target(%dma_start3A_66 : memref<128x64xf32, #tpu.memory_space<vmem>>) offsets(%dma_start3A_69 : memref<128xi32, #tpu.memory_space<vmem>>) semaphore(%arg9 : memref<!tpu.dma_semaphore, #tpu.memory_space<semaphore_mem>>)
    %dma_start3A_73 = arith.constant 3 : i32
    %dma_start3A_74 = arith.constant 3 : i32
    %dma_start3A_75 = arith.constant 0 : i32
    %dma_start3A_76 = arith.constant 0 : i32
    %dma_start3A_77 = tpu.memref_slice %arg6[%dma_start3A_74, %dma_start3A_75, %dma_start3A_76] : memref<4x128x64xf32, #tpu.memory_space<vmem>> -> memref<1x128x64xf32, #tpu.memory_space<vmem>>
    %dma_start3A_78 = tpu.memref_squeeze %dma_start3A_77 : memref<1x128x64xf32, #tpu.memory_space<vmem>> -> memref<128x64xf32, #tpu.memory_space<vmem>>
    %dma_start3A_79 = arith.constant 0 : i32
    %dma_start3A_80 = tpu.memref_slice %arg5[%dma_start3A_73, %dma_start3A_79] : memref<200x128xi32, #tpu.memory_space<vmem>> -> memref<1x128xi32, #tpu.memory_space<vmem>>
    %dma_start3A_81 = tpu.memref_squeeze %dma_start3A_80 : memref<1x128xi32, #tpu.memory_space<vmem>> -> memref<128xi32, #tpu.memory_space<vmem>>
    %dma_start3A_82 = arith.constant 0 : i32
    %dma_start3A_83 = arith.constant 0 : i32
    %dma_start3A_84 = tpu.memref_slice %arg3[%dma_start3A_82, %dma_start3A_83] : memref<1015808x64xf32, #tpu.memory_space<hbm>> -> memref<1015808x64xf32, #tpu.memory_space<hbm>>
    tpu.enqueue_indirect_dma source(%dma_start3A_84 : memref<1015808x64xf32, #tpu.memory_space<hbm>>) target(%dma_start3A_78 : memref<128x64xf32, #tpu.memory_space<vmem>>) offsets(%dma_start3A_81 : memref<128xi32, #tpu.memory_space<vmem>>) semaphore(%arg10 : memref<!tpu.dma_semaphore, #tpu.memory_space<semaphore_mem>>)
    %scan3A_85 = arith.constant 0 : i32
    %scan3A_86 = arith.constant 0 : i32
    %scan3A_87 = arith.constant 50 : i32
    %scan3A_88 = arith.addi %scan3A_86, %scan3A_87 : i32
    %scan3A_89 = arith.constant 1 : i32
    scf.for %scan3A_158 = %scan3A_86 to %scan3A_88 step %scan3A_89  : i32 {
      %mul3A_159 = arith.constant 4 : i32
      %mul3A_160 = arith.muli %scan3A_158, %mul3A_159 : i32
      %add3A_161 = arith.constant 0 : i32
      %add3A_162 = arith.addi %mul3A_160, %add3A_161 : i32
      %dma_wait3A_163 = arith.constant 0 : i32
      %dma_wait3A_164 = arith.constant 0 : i32
      %dma_wait3A_165 = arith.constant 0 : i32
      %dma_wait3A_166 = arith.constant 0 : i32
      %dma_wait3A_167 = tpu.memref_slice %arg6[%dma_wait3A_164, %dma_wait3A_165, %dma_wait3A_166] : memref<4x128x64xf32, #tpu.memory_space<vmem>> -> memref<1x128x64xf32, #tpu.memory_space<vmem>>
      %dma_wait3A_168 = tpu.memref_squeeze %dma_wait3A_167 : memref<1x128x64xf32, #tpu.memory_space<vmem>> -> memref<128x64xf32, #tpu.memory_space<vmem>>
      %dma_wait3A_169 = arith.constant 0 : i32
      %dma_wait3A_170 = tpu.memref_slice %arg5[%dma_wait3A_163, %dma_wait3A_169] : memref<200x128xi32, #tpu.memory_space<vmem>> -> memref<1x128xi32, #tpu.memory_space<vmem>>
      %dma_wait3A_171 = tpu.memref_squeeze %dma_wait3A_170 : memref<1x128xi32, #tpu.memory_space<vmem>> -> memref<128xi32, #tpu.memory_space<vmem>>
      %dma_wait3A_172 = arith.constant 0 : i32
      %dma_wait3A_173 = arith.constant 0 : i32
      %dma_wait3A_174 = tpu.memref_slice %arg3[%dma_wait3A_172, %dma_wait3A_173] : memref<1015808x64xf32, #tpu.memory_space<hbm>> -> memref<1015808x64xf32, #tpu.memory_space<hbm>>
      tpu.wait_indirect_dma semaphore(%arg7 : memref<!tpu.dma_semaphore, #tpu.memory_space<semaphore_mem>>) src(%dma_wait3A_174 : memref<1015808x64xf32, #tpu.memory_space<hbm>>) dst(%dma_wait3A_168 : memref<128x64xf32, #tpu.memory_space<vmem>>)
      %mul3A_175 = arith.constant 2048 : i32
      %mul3A_176 = arith.muli %add3A_162, %mul3A_175 : i32
      %add3A_177 = arith.addi %mul3A_176, %select_n3A_37 : i32
      %dma_start3A_178 = arith.constant 0 : i32
      %dma_start3A_179 = arith.constant 0 : i32
      %dma_start3A_180 = arith.constant 0 : i32
      %dma_start3A_181 = tpu.memref_slice %arg6[%dma_start3A_178, %dma_start3A_179, %dma_start3A_180] : memref<4x128x64xf32, #tpu.memory_space<vmem>> -> memref<1x128x64xf32, #tpu.memory_space<vmem>>
      %dma_start3A_182 = tpu.memref_squeeze %dma_start3A_181 : memref<1x128x64xf32, #tpu.memory_space<vmem>> -> memref<128x64xf32, #tpu.memory_space<vmem>>
      %dma_start3A_183 = arith.constant 0 : i32
      %dma_start3A_184 = tpu.memref_slice %arg4[%add3A_177, %select_n3A, %dma_start3A_183] : memref<409600x2x64xf32, #tpu.memory_space<hbm>> -> memref<128x1x64xf32, #tpu.memory_space<hbm>>
      %dma_start3A_185 = tpu.memref_squeeze %dma_start3A_184 : memref<128x1x64xf32, #tpu.memory_space<hbm>> -> memref<128x64xf32, #tpu.memory_space<hbm>>
      %dma_start3A_186 = arith.constant 0 : i32
      %dma_start3A_187 = tpu.memref_slice %arg4[%add3A_177, %select_n3A, %dma_start3A_186] : memref<409600x2x64xf32, #tpu.memory_space<hbm>> -> memref<128x1x64xf32, #tpu.memory_space<hbm>>
      %dma_start3A_188 = tpu.memref_squeeze %dma_start3A_187 : memref<128x1x64xf32, #tpu.memory_space<hbm>> -> memref<128x64xf32, #tpu.memory_space<hbm>>
      %dma_start3A_189 = arith.constant 0 : i32
      %dma_start3A_190 = arith.constant 0 : i32
      %dma_start3A_191 = tpu.memref_slice %arg6[%dma_start3A_178, %dma_start3A_189, %dma_start3A_190] : memref<4x128x64xf32, #tpu.memory_space<vmem>> -> memref<1x128x64xf32, #tpu.memory_space<vmem>>
      %dma_start3A_192 = tpu.memref_squeeze %dma_start3A_191 : memref<1x128x64xf32, #tpu.memory_space<vmem>> -> memref<128x64xf32, #tpu.memory_space<vmem>>
      tpu.enqueue_dma source(%dma_start3A_192 : memref<128x64xf32, #tpu.memory_space<vmem>>) target(%dma_start3A_188 : memref<128x64xf32, #tpu.memory_space<hbm>>) target_semaphore(%arg11 : memref<!tpu.dma_semaphore, #tpu.memory_space<semaphore_mem>>)
      %add3A_193 = arith.constant 4 : i32
      %add3A_194 = arith.addi %add3A_162, %add3A_193 : i32
      %lt3A_195 = arith.constant 200 : i32
      %lt3A_196 = arith.cmpi slt, %add3A_194, %lt3A_195 : i32
      %convert_element_type3A = arith.extui %lt3A_196 : i1 to i32
      %cond3A = arith.constant 0 : i32
      %cond3A_197 = arith.cmpi ne, %convert_element_type3A, %cond3A : i32
      scf.if %cond3A_197 {
        %dma_wait3A_321 = arith.constant 0 : i32
        %dma_wait3A_322 = arith.constant 0 : i32
        %dma_wait3A_323 = arith.constant 0 : i32
        %dma_wait3A_324 = tpu.memref_slice %arg6[%dma_wait3A_321, %dma_wait3A_322, %dma_wait3A_323] : memref<4x128x64xf32, #tpu.memory_space<vmem>> -> memref<1x128x64xf32, #tpu.memory_space<vmem>>
        %dma_wait3A_325 = tpu.memref_squeeze %dma_wait3A_324 : memref<1x128x64xf32, #tpu.memory_space<vmem>> -> memref<128x64xf32, #tpu.memory_space<vmem>>
        %dma_wait3A_326 = arith.constant 0 : i32
        %dma_wait3A_327 = arith.constant 0 : i32
        %dma_wait3A_328 = tpu.memref_slice %arg4[%dma_wait3A_326, %select_n3A, %dma_wait3A_327] : memref<409600x2x64xf32, #tpu.memory_space<hbm>> -> memref<128x1x64xf32, #tpu.memory_space<hbm>>
        %dma_wait3A_329 = tpu.memref_squeeze %dma_wait3A_328 : memref<128x1x64xf32, #tpu.memory_space<hbm>> -> memref<128x64xf32, #tpu.memory_space<hbm>>
        %dma_wait3A_330 = arith.constant 0 : i32
        %dma_wait3A_331 = arith.constant 0 : i32
        %dma_wait3A_332 = tpu.memref_slice %arg4[%dma_wait3A_330, %select_n3A, %dma_wait3A_331] : memref<409600x2x64xf32, #tpu.memory_space<hbm>> -> memref<128x1x64xf32, #tpu.memory_space<hbm>>
        %dma_wait3A_333 = tpu.memref_squeeze %dma_wait3A_332 : memref<128x1x64xf32, #tpu.memory_space<hbm>> -> memref<128x64xf32, #tpu.memory_space<hbm>>
        %dma_wait3A_334 = arith.constant 0 : i32
        %dma_wait3A_335 = arith.constant 0 : i32
        %dma_wait3A_336 = tpu.memref_slice %arg6[%dma_wait3A_321, %dma_wait3A_334, %dma_wait3A_335] : memref<4x128x64xf32, #tpu.memory_space<vmem>> -> memref<1x128x64xf32, #tpu.memory_space<vmem>>
        %dma_wait3A_337 = tpu.memref_squeeze %dma_wait3A_336 : memref<1x128x64xf32, #tpu.memory_space<vmem>> -> memref<128x64xf32, #tpu.memory_space<vmem>>
        tpu.wait_dma2 semaphore(%arg11 : memref<!tpu.dma_semaphore, #tpu.memory_space<semaphore_mem>>) src(%dma_wait3A_337 : memref<128x64xf32, #tpu.memory_space<vmem>>) dst(%dma_wait3A_333 : memref<128x64xf32, #tpu.memory_space<hbm>>)
        %dma_start3A_338 = arith.constant 0 : i32
        %dma_start3A_339 = arith.constant 0 : i32
        %dma_start3A_340 = arith.constant 0 : i32
        %dma_start3A_341 = tpu.memref_slice %arg6[%dma_start3A_338, %dma_start3A_339, %dma_start3A_340] : memref<4x128x64xf32, #tpu.memory_space<vmem>> -> memref<1x128x64xf32, #tpu.memory_space<vmem>>
        %dma_start3A_342 = tpu.memref_squeeze %dma_start3A_341 : memref<1x128x64xf32, #tpu.memory_space<vmem>> -> memref<128x64xf32, #tpu.memory_space<vmem>>
        %dma_start3A_343 = arith.constant 0 : i32
        %dma_start3A_344 = tpu.memref_slice %arg5[%add3A_194, %dma_start3A_343] : memref<200x128xi32, #tpu.memory_space<vmem>> -> memref<1x128xi32, #tpu.memory_space<vmem>>
        %dma_start3A_345 = tpu.memref_squeeze %dma_start3A_344 : memref<1x128xi32, #tpu.memory_space<vmem>> -> memref<128xi32, #tpu.memory_space<vmem>>
        %dma_start3A_346 = arith.constant 0 : i32
        %dma_start3A_347 = arith.constant 0 : i32
        %dma_start3A_348 = tpu.memref_slice %arg3[%dma_start3A_346, %dma_start3A_347] : memref<1015808x64xf32, #tpu.memory_space<hbm>> -> memref<1015808x64xf32, #tpu.memory_space<hbm>>
        tpu.enqueue_indirect_dma source(%dma_start3A_348 : memref<1015808x64xf32, #tpu.memory_space<hbm>>) target(%dma_start3A_342 : memref<128x64xf32, #tpu.memory_space<vmem>>) offsets(%dma_start3A_345 : memref<128xi32, #tpu.memory_space<vmem>>) semaphore(%arg7 : memref<!tpu.dma_semaphore, #tpu.memory_space<semaphore_mem>>)
      } else {
      }
      %mul3A_198 = arith.constant 4 : i32
      %mul3A_199 = arith.muli %scan3A_158, %mul3A_198 : i32
      %add3A_200 = arith.constant 1 : i32
      %add3A_201 = arith.addi %mul3A_199, %add3A_200 : i32
      %dma_wait3A_202 = arith.constant 0 : i32
      %dma_wait3A_203 = arith.constant 1 : i32
      %dma_wait3A_204 = arith.constant 0 : i32
      %dma_wait3A_205 = arith.constant 0 : i32
      %dma_wait3A_206 = tpu.memref_slice %arg6[%dma_wait3A_203, %dma_wait3A_204, %dma_wait3A_205] : memref<4x128x64xf32, #tpu.memory_space<vmem>> -> memref<1x128x64xf32, #tpu.memory_space<vmem>>
      %dma_wait3A_207 = tpu.memref_squeeze %dma_wait3A_206 : memref<1x128x64xf32, #tpu.memory_space<vmem>> -> memref<128x64xf32, #tpu.memory_space<vmem>>
      %dma_wait3A_208 = arith.constant 0 : i32
      %dma_wait3A_209 = tpu.memref_slice %arg5[%dma_wait3A_202, %dma_wait3A_208] : memref<200x128xi32, #tpu.memory_space<vmem>> -> memref<1x128xi32, #tpu.memory_space<vmem>>
      %dma_wait3A_210 = tpu.memref_squeeze %dma_wait3A_209 : memref<1x128xi32, #tpu.memory_space<vmem>> -> memref<128xi32, #tpu.memory_space<vmem>>
      %dma_wait3A_211 = arith.constant 0 : i32
      %dma_wait3A_212 = arith.constant 0 : i32
      %dma_wait3A_213 = tpu.memref_slice %arg3[%dma_wait3A_211, %dma_wait3A_212] : memref<1015808x64xf32, #tpu.memory_space<hbm>> -> memref<1015808x64xf32, #tpu.memory_space<hbm>>
      tpu.wait_indirect_dma semaphore(%arg8 : memref<!tpu.dma_semaphore, #tpu.memory_space<semaphore_mem>>) src(%dma_wait3A_213 : memref<1015808x64xf32, #tpu.memory_space<hbm>>) dst(%dma_wait3A_207 : memref<128x64xf32, #tpu.memory_space<vmem>>)
      %mul3A_214 = arith.constant 2048 : i32
      %mul3A_215 = arith.muli %add3A_201, %mul3A_214 : i32
      %add3A_216 = arith.addi %mul3A_215, %select_n3A_37 : i32
      %dma_start3A_217 = arith.constant 1 : i32
      %dma_start3A_218 = arith.constant 0 : i32
      %dma_start3A_219 = arith.constant 0 : i32
      %dma_start3A_220 = tpu.memref_slice %arg6[%dma_start3A_217, %dma_start3A_218, %dma_start3A_219] : memref<4x128x64xf32, #tpu.memory_space<vmem>> -> memref<1x128x64xf32, #tpu.memory_space<vmem>>
      %dma_start3A_221 = tpu.memref_squeeze %dma_start3A_220 : memref<1x128x64xf32, #tpu.memory_space<vmem>> -> memref<128x64xf32, #tpu.memory_space<vmem>>
      %dma_start3A_222 = arith.constant 0 : i32
      %dma_start3A_223 = tpu.memref_slice %arg4[%add3A_216, %select_n3A, %dma_start3A_222] : memref<409600x2x64xf32, #tpu.memory_space<hbm>> -> memref<128x1x64xf32, #tpu.memory_space<hbm>>
      %dma_start3A_224 = tpu.memref_squeeze %dma_start3A_223 : memref<128x1x64xf32, #tpu.memory_space<hbm>> -> memref<128x64xf32, #tpu.memory_space<hbm>>
      %dma_start3A_225 = arith.constant 0 : i32
      %dma_start3A_226 = tpu.memref_slice %arg4[%add3A_216, %select_n3A, %dma_start3A_225] : memref<409600x2x64xf32, #tpu.memory_space<hbm>> -> memref<128x1x64xf32, #tpu.memory_space<hbm>>
      %dma_start3A_227 = tpu.memref_squeeze %dma_start3A_226 : memref<128x1x64xf32, #tpu.memory_space<hbm>> -> memref<128x64xf32, #tpu.memory_space<hbm>>
      %dma_start3A_228 = arith.constant 0 : i32
      %dma_start3A_229 = arith.constant 0 : i32
      %dma_start3A_230 = tpu.memref_slice %arg6[%dma_start3A_217, %dma_start3A_228, %dma_start3A_229] : memref<4x128x64xf32, #tpu.memory_space<vmem>> -> memref<1x128x64xf32, #tpu.memory_space<vmem>>
      %dma_start3A_231 = tpu.memref_squeeze %dma_start3A_230 : memref<1x128x64xf32, #tpu.memory_space<vmem>> -> memref<128x64xf32, #tpu.memory_space<vmem>>
      tpu.enqueue_dma source(%dma_start3A_231 : memref<128x64xf32, #tpu.memory_space<vmem>>) target(%dma_start3A_227 : memref<128x64xf32, #tpu.memory_space<hbm>>) target_semaphore(%arg12 : memref<!tpu.dma_semaphore, #tpu.memory_space<semaphore_mem>>)
      %add3A_232 = arith.constant 4 : i32
      %add3A_233 = arith.addi %add3A_201, %add3A_232 : i32
      %lt3A_234 = arith.constant 200 : i32
      %lt3A_235 = arith.cmpi slt, %add3A_233, %lt3A_234 : i32
      %convert_element_type3A_236 = arith.extui %lt3A_235 : i1 to i32
      %cond3A_237 = arith.constant 0 : i32
      %cond3A_238 = arith.cmpi ne, %convert_element_type3A_236, %cond3A_237 : i32
      scf.if %cond3A_238 {
        %dma_wait3A_321 = arith.constant 1 : i32
        %dma_wait3A_322 = arith.constant 0 : i32
        %dma_wait3A_323 = arith.constant 0 : i32
        %dma_wait3A_324 = tpu.memref_slice %arg6[%dma_wait3A_321, %dma_wait3A_322, %dma_wait3A_323] : memref<4x128x64xf32, #tpu.memory_space<vmem>> -> memref<1x128x64xf32, #tpu.memory_space<vmem>>
        %dma_wait3A_325 = tpu.memref_squeeze %dma_wait3A_324 : memref<1x128x64xf32, #tpu.memory_space<vmem>> -> memref<128x64xf32, #tpu.memory_space<vmem>>
        %dma_wait3A_326 = arith.constant 0 : i32
        %dma_wait3A_327 = arith.constant 0 : i32
        %dma_wait3A_328 = tpu.memref_slice %arg4[%dma_wait3A_326, %select_n3A, %dma_wait3A_327] : memref<409600x2x64xf32, #tpu.memory_space<hbm>> -> memref<128x1x64xf32, #tpu.memory_space<hbm>>
        %dma_wait3A_329 = tpu.memref_squeeze %dma_wait3A_328 : memref<128x1x64xf32, #tpu.memory_space<hbm>> -> memref<128x64xf32, #tpu.memory_space<hbm>>
        %dma_wait3A_330 = arith.constant 0 : i32
        %dma_wait3A_331 = arith.constant 0 : i32
        %dma_wait3A_332 = tpu.memref_slice %arg4[%dma_wait3A_330, %select_n3A, %dma_wait3A_331] : memref<409600x2x64xf32, #tpu.memory_space<hbm>> -> memref<128x1x64xf32, #tpu.memory_space<hbm>>
        %dma_wait3A_333 = tpu.memref_squeeze %dma_wait3A_332 : memref<128x1x64xf32, #tpu.memory_space<hbm>> -> memref<128x64xf32, #tpu.memory_space<hbm>>
        %dma_wait3A_334 = arith.constant 0 : i32
        %dma_wait3A_335 = arith.constant 0 : i32
        %dma_wait3A_336 = tpu.memref_slice %arg6[%dma_wait3A_321, %dma_wait3A_334, %dma_wait3A_335] : memref<4x128x64xf32, #tpu.memory_space<vmem>> -> memref<1x128x64xf32, #tpu.memory_space<vmem>>
        %dma_wait3A_337 = tpu.memref_squeeze %dma_wait3A_336 : memref<1x128x64xf32, #tpu.memory_space<vmem>> -> memref<128x64xf32, #tpu.memory_space<vmem>>
        tpu.wait_dma2 semaphore(%arg12 : memref<!tpu.dma_semaphore, #tpu.memory_space<semaphore_mem>>) src(%dma_wait3A_337 : memref<128x64xf32, #tpu.memory_space<vmem>>) dst(%dma_wait3A_333 : memref<128x64xf32, #tpu.memory_space<hbm>>)
        %dma_start3A_338 = arith.constant 1 : i32
        %dma_start3A_339 = arith.constant 0 : i32
        %dma_start3A_340 = arith.constant 0 : i32
        %dma_start3A_341 = tpu.memref_slice %arg6[%dma_start3A_338, %dma_start3A_339, %dma_start3A_340] : memref<4x128x64xf32, #tpu.memory_space<vmem>> -> memref<1x128x64xf32, #tpu.memory_space<vmem>>
        %dma_start3A_342 = tpu.memref_squeeze %dma_start3A_341 : memref<1x128x64xf32, #tpu.memory_space<vmem>> -> memref<128x64xf32, #tpu.memory_space<vmem>>
        %dma_start3A_343 = arith.constant 0 : i32
        %dma_start3A_344 = tpu.memref_slice %arg5[%add3A_233, %dma_start3A_343] : memref<200x128xi32, #tpu.memory_space<vmem>> -> memref<1x128xi32, #tpu.memory_space<vmem>>
        %dma_start3A_345 = tpu.memref_squeeze %dma_start3A_344 : memref<1x128xi32, #tpu.memory_space<vmem>> -> memref<128xi32, #tpu.memory_space<vmem>>
        %dma_start3A_346 = arith.constant 0 : i32
        %dma_start3A_347 = arith.constant 0 : i32
        %dma_start3A_348 = tpu.memref_slice %arg3[%dma_start3A_346, %dma_start3A_347] : memref<1015808x64xf32, #tpu.memory_space<hbm>> -> memref<1015808x64xf32, #tpu.memory_space<hbm>>
        tpu.enqueue_indirect_dma source(%dma_start3A_348 : memref<1015808x64xf32, #tpu.memory_space<hbm>>) target(%dma_start3A_342 : memref<128x64xf32, #tpu.memory_space<vmem>>) offsets(%dma_start3A_345 : memref<128xi32, #tpu.memory_space<vmem>>) semaphore(%arg8 : memref<!tpu.dma_semaphore, #tpu.memory_space<semaphore_mem>>)
      } else {
      }
      %mul3A_239 = arith.constant 4 : i32
      %mul3A_240 = arith.muli %scan3A_158, %mul3A_239 : i32
      %add3A_241 = arith.constant 2 : i32
      %add3A_242 = arith.addi %mul3A_240, %add3A_241 : i32
      %dma_wait3A_243 = arith.constant 0 : i32
      %dma_wait3A_244 = arith.constant 2 : i32
      %dma_wait3A_245 = arith.constant 0 : i32
      %dma_wait3A_246 = arith.constant 0 : i32
      %dma_wait3A_247 = tpu.memref_slice %arg6[%dma_wait3A_244, %dma_wait3A_245, %dma_wait3A_246] : memref<4x128x64xf32, #tpu.memory_space<vmem>> -> memref<1x128x64xf32, #tpu.memory_space<vmem>>
      %dma_wait3A_248 = tpu.memref_squeeze %dma_wait3A_247 : memref<1x128x64xf32, #tpu.memory_space<vmem>> -> memref<128x64xf32, #tpu.memory_space<vmem>>
      %dma_wait3A_249 = arith.constant 0 : i32
      %dma_wait3A_250 = tpu.memref_slice %arg5[%dma_wait3A_243, %dma_wait3A_249] : memref<200x128xi32, #tpu.memory_space<vmem>> -> memref<1x128xi32, #tpu.memory_space<vmem>>
      %dma_wait3A_251 = tpu.memref_squeeze %dma_wait3A_250 : memref<1x128xi32, #tpu.memory_space<vmem>> -> memref<128xi32, #tpu.memory_space<vmem>>
      %dma_wait3A_252 = arith.constant 0 : i32
      %dma_wait3A_253 = arith.constant 0 : i32
      %dma_wait3A_254 = tpu.memref_slice %arg3[%dma_wait3A_252, %dma_wait3A_253] : memref<1015808x64xf32, #tpu.memory_space<hbm>> -> memref<1015808x64xf32, #tpu.memory_space<hbm>>
      tpu.wait_indirect_dma semaphore(%arg9 : memref<!tpu.dma_semaphore, #tpu.memory_space<semaphore_mem>>) src(%dma_wait3A_254 : memref<1015808x64xf32, #tpu.memory_space<hbm>>) dst(%dma_wait3A_248 : memref<128x64xf32, #tpu.memory_space<vmem>>)
      %mul3A_255 = arith.constant 2048 : i32
      %mul3A_256 = arith.muli %add3A_242, %mul3A_255 : i32
      %add3A_257 = arith.addi %mul3A_256, %select_n3A_37 : i32
      %dma_start3A_258 = arith.constant 2 : i32
      %dma_start3A_259 = arith.constant 0 : i32
      %dma_start3A_260 = arith.constant 0 : i32
      %dma_start3A_261 = tpu.memref_slice %arg6[%dma_start3A_258, %dma_start3A_259, %dma_start3A_260] : memref<4x128x64xf32, #tpu.memory_space<vmem>> -> memref<1x128x64xf32, #tpu.memory_space<vmem>>
      %dma_start3A_262 = tpu.memref_squeeze %dma_start3A_261 : memref<1x128x64xf32, #tpu.memory_space<vmem>> -> memref<128x64xf32, #tpu.memory_space<vmem>>
      %dma_start3A_263 = arith.constant 0 : i32
      %dma_start3A_264 = tpu.memref_slice %arg4[%add3A_257, %select_n3A, %dma_start3A_263] : memref<409600x2x64xf32, #tpu.memory_space<hbm>> -> memref<128x1x64xf32, #tpu.memory_space<hbm>>
      %dma_start3A_265 = tpu.memref_squeeze %dma_start3A_264 : memref<128x1x64xf32, #tpu.memory_space<hbm>> -> memref<128x64xf32, #tpu.memory_space<hbm>>
      %dma_start3A_266 = arith.constant 0 : i32
      %dma_start3A_267 = tpu.memref_slice %arg4[%add3A_257, %select_n3A, %dma_start3A_266] : memref<409600x2x64xf32, #tpu.memory_space<hbm>> -> memref<128x1x64xf32, #tpu.memory_space<hbm>>
      %dma_start3A_268 = tpu.memref_squeeze %dma_start3A_267 : memref<128x1x64xf32, #tpu.memory_space<hbm>> -> memref<128x64xf32, #tpu.memory_space<hbm>>
      %dma_start3A_269 = arith.constant 0 : i32
      %dma_start3A_270 = arith.constant 0 : i32
      %dma_start3A_271 = tpu.memref_slice %arg6[%dma_start3A_258, %dma_start3A_269, %dma_start3A_270] : memref<4x128x64xf32, #tpu.memory_space<vmem>> -> memref<1x128x64xf32, #tpu.memory_space<vmem>>
      %dma_start3A_272 = tpu.memref_squeeze %dma_start3A_271 : memref<1x128x64xf32, #tpu.memory_space<vmem>> -> memref<128x64xf32, #tpu.memory_space<vmem>>
      tpu.enqueue_dma source(%dma_start3A_272 : memref<128x64xf32, #tpu.memory_space<vmem>>) target(%dma_start3A_268 : memref<128x64xf32, #tpu.memory_space<hbm>>) target_semaphore(%arg13 : memref<!tpu.dma_semaphore, #tpu.memory_space<semaphore_mem>>)
      %add3A_273 = arith.constant 4 : i32
      %add3A_274 = arith.addi %add3A_242, %add3A_273 : i32
      %lt3A_275 = arith.constant 200 : i32
      %lt3A_276 = arith.cmpi slt, %add3A_274, %lt3A_275 : i32
      %convert_element_type3A_277 = arith.extui %lt3A_276 : i1 to i32
      %cond3A_278 = arith.constant 0 : i32
      %cond3A_279 = arith.cmpi ne, %convert_element_type3A_277, %cond3A_278 : i32
      scf.if %cond3A_279 {
        %dma_wait3A_321 = arith.constant 2 : i32
        %dma_wait3A_322 = arith.constant 0 : i32
        %dma_wait3A_323 = arith.constant 0 : i32
        %dma_wait3A_324 = tpu.memref_slice %arg6[%dma_wait3A_321, %dma_wait3A_322, %dma_wait3A_323] : memref<4x128x64xf32, #tpu.memory_space<vmem>> -> memref<1x128x64xf32, #tpu.memory_space<vmem>>
        %dma_wait3A_325 = tpu.memref_squeeze %dma_wait3A_324 : memref<1x128x64xf32, #tpu.memory_space<vmem>> -> memref<128x64xf32, #tpu.memory_space<vmem>>
        %dma_wait3A_326 = arith.constant 0 : i32
        %dma_wait3A_327 = arith.constant 0 : i32
        %dma_wait3A_328 = tpu.memref_slice %arg4[%dma_wait3A_326, %select_n3A, %dma_wait3A_327] : memref<409600x2x64xf32, #tpu.memory_space<hbm>> -> memref<128x1x64xf32, #tpu.memory_space<hbm>>
        %dma_wait3A_329 = tpu.memref_squeeze %dma_wait3A_328 : memref<128x1x64xf32, #tpu.memory_space<hbm>> -> memref<128x64xf32, #tpu.memory_space<hbm>>
        %dma_wait3A_330 = arith.constant 0 : i32
        %dma_wait3A_331 = arith.constant 0 : i32
        %dma_wait3A_332 = tpu.memref_slice %arg4[%dma_wait3A_330, %select_n3A, %dma_wait3A_331] : memref<409600x2x64xf32, #tpu.memory_space<hbm>> -> memref<128x1x64xf32, #tpu.memory_space<hbm>>
        %dma_wait3A_333 = tpu.memref_squeeze %dma_wait3A_332 : memref<128x1x64xf32, #tpu.memory_space<hbm>> -> memref<128x64xf32, #tpu.memory_space<hbm>>
        %dma_wait3A_334 = arith.constant 0 : i32
        %dma_wait3A_335 = arith.constant 0 : i32
        %dma_wait3A_336 = tpu.memref_slice %arg6[%dma_wait3A_321, %dma_wait3A_334, %dma_wait3A_335] : memref<4x128x64xf32, #tpu.memory_space<vmem>> -> memref<1x128x64xf32, #tpu.memory_space<vmem>>
        %dma_wait3A_337 = tpu.memref_squeeze %dma_wait3A_336 : memref<1x128x64xf32, #tpu.memory_space<vmem>> -> memref<128x64xf32, #tpu.memory_space<vmem>>
        tpu.wait_dma2 semaphore(%arg13 : memref<!tpu.dma_semaphore, #tpu.memory_space<semaphore_mem>>) src(%dma_wait3A_337 : memref<128x64xf32, #tpu.memory_space<vmem>>) dst(%dma_wait3A_333 : memref<128x64xf32, #tpu.memory_space<hbm>>)
        %dma_start3A_338 = arith.constant 2 : i32
        %dma_start3A_339 = arith.constant 0 : i32
        %dma_start3A_340 = arith.constant 0 : i32
        %dma_start3A_341 = tpu.memref_slice %arg6[%dma_start3A_338, %dma_start3A_339, %dma_start3A_340] : memref<4x128x64xf32, #tpu.memory_space<vmem>> -> memref<1x128x64xf32, #tpu.memory_space<vmem>>
        %dma_start3A_342 = tpu.memref_squeeze %dma_start3A_341 : memref<1x128x64xf32, #tpu.memory_space<vmem>> -> memref<128x64xf32, #tpu.memory_space<vmem>>
        %dma_start3A_343 = arith.constant 0 : i32
        %dma_start3A_344 = tpu.memref_slice %arg5[%add3A_274, %dma_start3A_343] : memref<200x128xi32, #tpu.memory_space<vmem>> -> memref<1x128xi32, #tpu.memory_space<vmem>>
        %dma_start3A_345 = tpu.memref_squeeze %dma_start3A_344 : memref<1x128xi32, #tpu.memory_space<vmem>> -> memref<128xi32, #tpu.memory_space<vmem>>
        %dma_start3A_346 = arith.constant 0 : i32
        %dma_start3A_347 = arith.constant 0 : i32
        %dma_start3A_348 = tpu.memref_slice %arg3[%dma_start3A_346, %dma_start3A_347] : memref<1015808x64xf32, #tpu.memory_space<hbm>> -> memref<1015808x64xf32, #tpu.memory_space<hbm>>
        tpu.enqueue_indirect_dma source(%dma_start3A_348 : memref<1015808x64xf32, #tpu.memory_space<hbm>>) target(%dma_start3A_342 : memref<128x64xf32, #tpu.memory_space<vmem>>) offsets(%dma_start3A_345 : memref<128xi32, #tpu.memory_space<vmem>>) semaphore(%arg9 : memref<!tpu.dma_semaphore, #tpu.memory_space<semaphore_mem>>)
      } else {
      }
      %mul3A_280 = arith.constant 4 : i32
      %mul3A_281 = arith.muli %scan3A_158, %mul3A_280 : i32
      %add3A_282 = arith.constant 3 : i32
      %add3A_283 = arith.addi %mul3A_281, %add3A_282 : i32
      %dma_wait3A_284 = arith.constant 0 : i32
      %dma_wait3A_285 = arith.constant 3 : i32
      %dma_wait3A_286 = arith.constant 0 : i32
      %dma_wait3A_287 = arith.constant 0 : i32
      %dma_wait3A_288 = tpu.memref_slice %arg6[%dma_wait3A_285, %dma_wait3A_286, %dma_wait3A_287] : memref<4x128x64xf32, #tpu.memory_space<vmem>> -> memref<1x128x64xf32, #tpu.memory_space<vmem>>
      %dma_wait3A_289 = tpu.memref_squeeze %dma_wait3A_288 : memref<1x128x64xf32, #tpu.memory_space<vmem>> -> memref<128x64xf32, #tpu.memory_space<vmem>>
      %dma_wait3A_290 = arith.constant 0 : i32
      %dma_wait3A_291 = tpu.memref_slice %arg5[%dma_wait3A_284, %dma_wait3A_290] : memref<200x128xi32, #tpu.memory_space<vmem>> -> memref<1x128xi32, #tpu.memory_space<vmem>>
      %dma_wait3A_292 = tpu.memref_squeeze %dma_wait3A_291 : memref<1x128xi32, #tpu.memory_space<vmem>> -> memref<128xi32, #tpu.memory_space<vmem>>
      %dma_wait3A_293 = arith.constant 0 : i32
      %dma_wait3A_294 = arith.constant 0 : i32
      %dma_wait3A_295 = tpu.memref_slice %arg3[%dma_wait3A_293, %dma_wait3A_294] : memref<1015808x64xf32, #tpu.memory_space<hbm>> -> memref<1015808x64xf32, #tpu.memory_space<hbm>>
      tpu.wait_indirect_dma semaphore(%arg10 : memref<!tpu.dma_semaphore, #tpu.memory_space<semaphore_mem>>) src(%dma_wait3A_295 : memref<1015808x64xf32, #tpu.memory_space<hbm>>) dst(%dma_wait3A_289 : memref<128x64xf32, #tpu.memory_space<vmem>>)
      %mul3A_296 = arith.constant 2048 : i32
      %mul3A_297 = arith.muli %add3A_283, %mul3A_296 : i32
      %add3A_298 = arith.addi %mul3A_297, %select_n3A_37 : i32
      %dma_start3A_299 = arith.constant 3 : i32
      %dma_start3A_300 = arith.constant 0 : i32
      %dma_start3A_301 = arith.constant 0 : i32
      %dma_start3A_302 = tpu.memref_slice %arg6[%dma_start3A_299, %dma_start3A_300, %dma_start3A_301] : memref<4x128x64xf32, #tpu.memory_space<vmem>> -> memref<1x128x64xf32, #tpu.memory_space<vmem>>
      %dma_start3A_303 = tpu.memref_squeeze %dma_start3A_302 : memref<1x128x64xf32, #tpu.memory_space<vmem>> -> memref<128x64xf32, #tpu.memory_space<vmem>>
      %dma_start3A_304 = arith.constant 0 : i32
      %dma_start3A_305 = tpu.memref_slice %arg4[%add3A_298, %select_n3A, %dma_start3A_304] : memref<409600x2x64xf32, #tpu.memory_space<hbm>> -> memref<128x1x64xf32, #tpu.memory_space<hbm>>
      %dma_start3A_306 = tpu.memref_squeeze %dma_start3A_305 : memref<128x1x64xf32, #tpu.memory_space<hbm>> -> memref<128x64xf32, #tpu.memory_space<hbm>>
      %dma_start3A_307 = arith.constant 0 : i32
      %dma_start3A_308 = tpu.memref_slice %arg4[%add3A_298, %select_n3A, %dma_start3A_307] : memref<409600x2x64xf32, #tpu.memory_space<hbm>> -> memref<128x1x64xf32, #tpu.memory_space<hbm>>
      %dma_start3A_309 = tpu.memref_squeeze %dma_start3A_308 : memref<128x1x64xf32, #tpu.memory_space<hbm>> -> memref<128x64xf32, #tpu.memory_space<hbm>>
      %dma_start3A_310 = arith.constant 0 : i32
      %dma_start3A_311 = arith.constant 0 : i32
      %dma_start3A_312 = tpu.memref_slice %arg6[%dma_start3A_299, %dma_start3A_310, %dma_start3A_311] : memref<4x128x64xf32, #tpu.memory_space<vmem>> -> memref<1x128x64xf32, #tpu.memory_space<vmem>>
      %dma_start3A_313 = tpu.memref_squeeze %dma_start3A_312 : memref<1x128x64xf32, #tpu.memory_space<vmem>> -> memref<128x64xf32, #tpu.memory_space<vmem>>
      tpu.enqueue_dma source(%dma_start3A_313 : memref<128x64xf32, #tpu.memory_space<vmem>>) target(%dma_start3A_309 : memref<128x64xf32, #tpu.memory_space<hbm>>) target_semaphore(%arg14 : memref<!tpu.dma_semaphore, #tpu.memory_space<semaphore_mem>>)
      %add3A_314 = arith.constant 4 : i32
      %add3A_315 = arith.addi %add3A_283, %add3A_314 : i32
      %lt3A_316 = arith.constant 200 : i32
      %lt3A_317 = arith.cmpi slt, %add3A_315, %lt3A_316 : i32
      %convert_element_type3A_318 = arith.extui %lt3A_317 : i1 to i32
      %cond3A_319 = arith.constant 0 : i32
      %cond3A_320 = arith.cmpi ne, %convert_element_type3A_318, %cond3A_319 : i32
      scf.if %cond3A_320 {
        %dma_wait3A_321 = arith.constant 3 : i32
        %dma_wait3A_322 = arith.constant 0 : i32
        %dma_wait3A_323 = arith.constant 0 : i32
        %dma_wait3A_324 = tpu.memref_slice %arg6[%dma_wait3A_321, %dma_wait3A_322, %dma_wait3A_323] : memref<4x128x64xf32, #tpu.memory_space<vmem>> -> memref<1x128x64xf32, #tpu.memory_space<vmem>>
        %dma_wait3A_325 = tpu.memref_squeeze %dma_wait3A_324 : memref<1x128x64xf32, #tpu.memory_space<vmem>> -> memref<128x64xf32, #tpu.memory_space<vmem>>
        %dma_wait3A_326 = arith.constant 0 : i32
        %dma_wait3A_327 = arith.constant 0 : i32
        %dma_wait3A_328 = tpu.memref_slice %arg4[%dma_wait3A_326, %select_n3A, %dma_wait3A_327] : memref<409600x2x64xf32, #tpu.memory_space<hbm>> -> memref<128x1x64xf32, #tpu.memory_space<hbm>>
        %dma_wait3A_329 = tpu.memref_squeeze %dma_wait3A_328 : memref<128x1x64xf32, #tpu.memory_space<hbm>> -> memref<128x64xf32, #tpu.memory_space<hbm>>
        %dma_wait3A_330 = arith.constant 0 : i32
        %dma_wait3A_331 = arith.constant 0 : i32
        %dma_wait3A_332 = tpu.memref_slice %arg4[%dma_wait3A_330, %select_n3A, %dma_wait3A_331] : memref<409600x2x64xf32, #tpu.memory_space<hbm>> -> memref<128x1x64xf32, #tpu.memory_space<hbm>>
        %dma_wait3A_333 = tpu.memref_squeeze %dma_wait3A_332 : memref<128x1x64xf32, #tpu.memory_space<hbm>> -> memref<128x64xf32, #tpu.memory_space<hbm>>
        %dma_wait3A_334 = arith.constant 0 : i32
        %dma_wait3A_335 = arith.constant 0 : i32
        %dma_wait3A_336 = tpu.memref_slice %arg6[%dma_wait3A_321, %dma_wait3A_334, %dma_wait3A_335] : memref<4x128x64xf32, #tpu.memory_space<vmem>> -> memref<1x128x64xf32, #tpu.memory_space<vmem>>
        %dma_wait3A_337 = tpu.memref_squeeze %dma_wait3A_336 : memref<1x128x64xf32, #tpu.memory_space<vmem>> -> memref<128x64xf32, #tpu.memory_space<vmem>>
        tpu.wait_dma2 semaphore(%arg14 : memref<!tpu.dma_semaphore, #tpu.memory_space<semaphore_mem>>) src(%dma_wait3A_337 : memref<128x64xf32, #tpu.memory_space<vmem>>) dst(%dma_wait3A_333 : memref<128x64xf32, #tpu.memory_space<hbm>>)
        %dma_start3A_338 = arith.constant 3 : i32
        %dma_start3A_339 = arith.constant 0 : i32
        %dma_start3A_340 = arith.constant 0 : i32
        %dma_start3A_341 = tpu.memref_slice %arg6[%dma_start3A_338, %dma_start3A_339, %dma_start3A_340] : memref<4x128x64xf32, #tpu.memory_space<vmem>> -> memref<1x128x64xf32, #tpu.memory_space<vmem>>
        %dma_start3A_342 = tpu.memref_squeeze %dma_start3A_341 : memref<1x128x64xf32, #tpu.memory_space<vmem>> -> memref<128x64xf32, #tpu.memory_space<vmem>>
        %dma_start3A_343 = arith.constant 0 : i32
        %dma_start3A_344 = tpu.memref_slice %arg5[%add3A_315, %dma_start3A_343] : memref<200x128xi32, #tpu.memory_space<vmem>> -> memref<1x128xi32, #tpu.memory_space<vmem>>
        %dma_start3A_345 = tpu.memref_squeeze %dma_start3A_344 : memref<1x128xi32, #tpu.memory_space<vmem>> -> memref<128xi32, #tpu.memory_space<vmem>>
        %dma_start3A_346 = arith.constant 0 : i32
        %dma_start3A_347 = arith.constant 0 : i32
        %dma_start3A_348 = tpu.memref_slice %arg3[%dma_start3A_346, %dma_start3A_347] : memref<1015808x64xf32, #tpu.memory_space<hbm>> -> memref<1015808x64xf32, #tpu.memory_space<hbm>>
        tpu.enqueue_indirect_dma source(%dma_start3A_348 : memref<1015808x64xf32, #tpu.memory_space<hbm>>) target(%dma_start3A_342 : memref<128x64xf32, #tpu.memory_space<vmem>>) offsets(%dma_start3A_345 : memref<128xi32, #tpu.memory_space<vmem>>) semaphore(%arg10 : memref<!tpu.dma_semaphore, #tpu.memory_space<semaphore_mem>>)
      } else {
      }
    }
    %scan3A_90 = arith.constant 50 : i32
    %dma_wait3A = arith.constant 0 : i32
    %dma_wait3A_91 = arith.constant 0 : i32
    %dma_wait3A_92 = arith.constant 0 : i32
    %dma_wait3A_93 = tpu.memref_slice %arg6[%dma_wait3A, %dma_wait3A_91, %dma_wait3A_92] : memref<4x128x64xf32, #tpu.memory_space<vmem>> -> memref<1x128x64xf32, #tpu.memory_space<vmem>>
    %dma_wait3A_94 = tpu.memref_squeeze %dma_wait3A_93 : memref<1x128x64xf32, #tpu.memory_space<vmem>> -> memref<128x64xf32, #tpu.memory_space<vmem>>
    %dma_wait3A_95 = arith.constant 0 : i32
    %dma_wait3A_96 = arith.constant 0 : i32
    %dma_wait3A_97 = tpu.memref_slice %arg4[%dma_wait3A_95, %select_n3A, %dma_wait3A_96] : memref<409600x2x64xf32, #tpu.memory_space<hbm>> -> memref<128x1x64xf32, #tpu.memory_space<hbm>>
    %dma_wait3A_98 = tpu.memref_squeeze %dma_wait3A_97 : memref<128x1x64xf32, #tpu.memory_space<hbm>> -> memref<128x64xf32, #tpu.memory_space<hbm>>
    %dma_wait3A_99 = arith.constant 0 : i32
    %dma_wait3A_100 = arith.constant 0 : i32
    %dma_wait3A_101 = tpu.memref_slice %arg4[%dma_wait3A_99, %select_n3A, %dma_wait3A_100] : memref<409600x2x64xf32, #tpu.memory_space<hbm>> -> memref<128x1x64xf32, #tpu.memory_space<hbm>>
    %dma_wait3A_102 = tpu.memref_squeeze %dma_wait3A_101 : memref<128x1x64xf32, #tpu.memory_space<hbm>> -> memref<128x64xf32, #tpu.memory_space<hbm>>
    %dma_wait3A_103 = arith.constant 0 : i32
    %dma_wait3A_104 = arith.constant 0 : i32
    %dma_wait3A_105 = tpu.memref_slice %arg6[%dma_wait3A, %dma_wait3A_103, %dma_wait3A_104] : memref<4x128x64xf32, #tpu.memory_space<vmem>> -> memref<1x128x64xf32, #tpu.memory_space<vmem>>
    %dma_wait3A_106 = tpu.memref_squeeze %dma_wait3A_105 : memref<1x128x64xf32, #tpu.memory_space<vmem>> -> memref<128x64xf32, #tpu.memory_space<vmem>>
    tpu.wait_dma2 semaphore(%arg11 : memref<!tpu.dma_semaphore, #tpu.memory_space<semaphore_mem>>) src(%dma_wait3A_106 : memref<128x64xf32, #tpu.memory_space<vmem>>) dst(%dma_wait3A_102 : memref<128x64xf32, #tpu.memory_space<hbm>>)
    %dma_wait3A_107 = arith.constant 1 : i32
    %dma_wait3A_108 = arith.constant 0 : i32
    %dma_wait3A_109 = arith.constant 0 : i32
    %dma_wait3A_110 = tpu.memref_slice %arg6[%dma_wait3A_107, %dma_wait3A_108, %dma_wait3A_109] : memref<4x128x64xf32, #tpu.memory_space<vmem>> -> memref<1x128x64xf32, #tpu.memory_space<vmem>>
    %dma_wait3A_111 = tpu.memref_squeeze %dma_wait3A_110 : memref<1x128x64xf32, #tpu.memory_space<vmem>> -> memref<128x64xf32, #tpu.memory_space<vmem>>
    %dma_wait3A_112 = arith.constant 0 : i32
    %dma_wait3A_113 = arith.constant 0 : i32
    %dma_wait3A_114 = tpu.memref_slice %arg4[%dma_wait3A_112, %select_n3A, %dma_wait3A_113] : memref<409600x2x64xf32, #tpu.memory_space<hbm>> -> memref<128x1x64xf32, #tpu.memory_space<hbm>>
    %dma_wait3A_115 = tpu.memref_squeeze %dma_wait3A_114 : memref<128x1x64xf32, #tpu.memory_space<hbm>> -> memref<128x64xf32, #tpu.memory_space<hbm>>
    %dma_wait3A_116 = arith.constant 0 : i32
    %dma_wait3A_117 = arith.constant 0 : i32
    %dma_wait3A_118 = tpu.memref_slice %arg4[%dma_wait3A_116, %select_n3A, %dma_wait3A_117] : memref<409600x2x64xf32, #tpu.memory_space<hbm>> -> memref<128x1x64xf32, #tpu.memory_space<hbm>>
    %dma_wait3A_119 = tpu.memref_squeeze %dma_wait3A_118 : memref<128x1x64xf32, #tpu.memory_space<hbm>> -> memref<128x64xf32, #tpu.memory_space<hbm>>
    %dma_wait3A_120 = arith.constant 0 : i32
    %dma_wait3A_121 = arith.constant 0 : i32
    %dma_wait3A_122 = tpu.memref_slice %arg6[%dma_wait3A_107, %dma_wait3A_120, %dma_wait3A_121] : memref<4x128x64xf32, #tpu.memory_space<vmem>> -> memref<1x128x64xf32, #tpu.memory_space<vmem>>
    %dma_wait3A_123 = tpu.memref_squeeze %dma_wait3A_122 : memref<1x128x64xf32, #tpu.memory_space<vmem>> -> memref<128x64xf32, #tpu.memory_space<vmem>>
    tpu.wait_dma2 semaphore(%arg12 : memref<!tpu.dma_semaphore, #tpu.memory_space<semaphore_mem>>) src(%dma_wait3A_123 : memref<128x64xf32, #tpu.memory_space<vmem>>) dst(%dma_wait3A_119 : memref<128x64xf32, #tpu.memory_space<hbm>>)
    %dma_wait3A_124 = arith.constant 2 : i32
    %dma_wait3A_125 = arith.constant 0 : i32
    %dma_wait3A_126 = arith.constant 0 : i32
    %dma_wait3A_127 = tpu.memref_slice %arg6[%dma_wait3A_124, %dma_wait3A_125, %dma_wait3A_126] : memref<4x128x64xf32, #tpu.memory_space<vmem>> -> memref<1x128x64xf32, #tpu.memory_space<vmem>>
    %dma_wait3A_128 = tpu.memref_squeeze %dma_wait3A_127 : memref<1x128x64xf32, #tpu.memory_space<vmem>> -> memref<128x64xf32, #tpu.memory_space<vmem>>
    %dma_wait3A_129 = arith.constant 0 : i32
    %dma_wait3A_130 = arith.constant 0 : i32
    %dma_wait3A_131 = tpu.memref_slice %arg4[%dma_wait3A_129, %select_n3A, %dma_wait3A_130] : memref<409600x2x64xf32, #tpu.memory_space<hbm>> -> memref<128x1x64xf32, #tpu.memory_space<hbm>>
    %dma_wait3A_132 = tpu.memref_squeeze %dma_wait3A_131 : memref<128x1x64xf32, #tpu.memory_space<hbm>> -> memref<128x64xf32, #tpu.memory_space<hbm>>
    %dma_wait3A_133 = arith.constant 0 : i32
    %dma_wait3A_134 = arith.constant 0 : i32
    %dma_wait3A_135 = tpu.memref_slice %arg4[%dma_wait3A_133, %select_n3A, %dma_wait3A_134] : memref<409600x2x64xf32, #tpu.memory_space<hbm>> -> memref<128x1x64xf32, #tpu.memory_space<hbm>>
    %dma_wait3A_136 = tpu.memref_squeeze %dma_wait3A_135 : memref<128x1x64xf32, #tpu.memory_space<hbm>> -> memref<128x64xf32, #tpu.memory_space<hbm>>
    %dma_wait3A_137 = arith.constant 0 : i32
    %dma_wait3A_138 = arith.constant 0 : i32
    %dma_wait3A_139 = tpu.memref_slice %arg6[%dma_wait3A_124, %dma_wait3A_137, %dma_wait3A_138] : memref<4x128x64xf32, #tpu.memory_space<vmem>> -> memref<1x128x64xf32, #tpu.memory_space<vmem>>
    %dma_wait3A_140 = tpu.memref_squeeze %dma_wait3A_139 : memref<1x128x64xf32, #tpu.memory_space<vmem>> -> memref<128x64xf32, #tpu.memory_space<vmem>>
    tpu.wait_dma2 semaphore(%arg13 : memref<!tpu.dma_semaphore, #tpu.memory_space<semaphore_mem>>) src(%dma_wait3A_140 : memref<128x64xf32, #tpu.memory_space<vmem>>) dst(%dma_wait3A_136 : memref<128x64xf32, #tpu.memory_space<hbm>>)
    %dma_wait3A_141 = arith.constant 3 : i32
    %dma_wait3A_142 = arith.constant 0 : i32
    %dma_wait3A_143 = arith.constant 0 : i32
    %dma_wait3A_144 = tpu.memref_slice %arg6[%dma_wait3A_141, %dma_wait3A_142, %dma_wait3A_143] : memref<4x128x64xf32, #tpu.memory_space<vmem>> -> memref<1x128x64xf32, #tpu.memory_space<vmem>>
    %dma_wait3A_145 = tpu.memref_squeeze %dma_wait3A_144 : memref<1x128x64xf32, #tpu.memory_space<vmem>> -> memref<128x64xf32, #tpu.memory_space<vmem>>
    %dma_wait3A_146 = arith.constant 0 : i32
    %dma_wait3A_147 = arith.constant 0 : i32
    %dma_wait3A_148 = tpu.memref_slice %arg4[%dma_wait3A_146, %select_n3A, %dma_wait3A_147] : memref<409600x2x64xf32, #tpu.memory_space<hbm>> -> memref<128x1x64xf32, #tpu.memory_space<hbm>>
    %dma_wait3A_149 = tpu.memref_squeeze %dma_wait3A_148 : memref<128x1x64xf32, #tpu.memory_space<hbm>> -> memref<128x64xf32, #tpu.memory_space<hbm>>
    %dma_wait3A_150 = arith.constant 0 : i32
    %dma_wait3A_151 = arith.constant 0 : i32
    %dma_wait3A_152 = tpu.memref_slice %arg4[%dma_wait3A_150, %select_n3A, %dma_wait3A_151] : memref<409600x2x64xf32, #tpu.memory_space<hbm>> -> memref<128x1x64xf32, #tpu.memory_space<hbm>>
    %dma_wait3A_153 = tpu.memref_squeeze %dma_wait3A_152 : memref<128x1x64xf32, #tpu.memory_space<hbm>> -> memref<128x64xf32, #tpu.memory_space<hbm>>
    %dma_wait3A_154 = arith.constant 0 : i32
    %dma_wait3A_155 = arith.constant 0 : i32
    %dma_wait3A_156 = tpu.memref_slice %arg6[%dma_wait3A_141, %dma_wait3A_154, %dma_wait3A_155] : memref<4x128x64xf32, #tpu.memory_space<vmem>> -> memref<1x128x64xf32, #tpu.memory_space<vmem>>
    %dma_wait3A_157 = tpu.memref_squeeze %dma_wait3A_156 : memref<1x128x64xf32, #tpu.memory_space<vmem>> -> memref<128x64xf32, #tpu.memory_space<vmem>>
    tpu.wait_dma2 semaphore(%arg14 : memref<!tpu.dma_semaphore, #tpu.memory_space<semaphore_mem>>) src(%dma_wait3A_157 : memref<128x64xf32, #tpu.memory_space<vmem>>) dst(%dma_wait3A_153 : memref<128x64xf32, #tpu.memory_space<hbm>>)
    return
  }
}

module attributes {stable_mosaic.version = 14 : i64} {
  func.func @body(%arg0: i32, %arg1: memref<8x2048x128xf32, #tpu.memory_space<vmem>>, %arg2: memref<8x64x4096xf32, #tpu.memory_space<vmem>>) attributes {dimension_semantics = [#tpu.dimension_semantics<arbitrary>], iteration_bounds = array<i64: 25>, scalar_prefetch = 0 : i64, scratch_operands = 0 : i64, tpu.core_type = #tpu.core_type<tc>, window_params = [{transform_indices = @transform_0, window_bounds = array<i64: 8, 2048, 128>}, {transform_indices = @transform_1, window_bounds = array<i64: 8, 64, 4096>}]} {
    %iota3A = tpu.iota {dimensions = array<i32: 0>} : vector<128x128xi32>
    %iota3A_0 = tpu.iota {dimensions = array<i32: 1>} : vector<128x128xi32>
    %eq3A = arith.cmpi eq, %iota3A, %iota3A_0 : vector<128x128xi32>
    %convert_element_type3A = arith.extui %eq3A : vector<128x128xi1> to vector<128x128xi32>
    %convert_element_type3A_1 = arith.sitofp %convert_element_type3A : vector<128x128xi32> to vector<128x128xf32>
    %get3A = arith.constant 0 : index
    %get3A_2 = arith.constant 0 : index
    %get3A_3 = arith.constant 0 : index
    %get3A_4 = vector.load %arg1[%get3A, %get3A_2, %get3A_3] : memref<8x2048x128xf32, #tpu.memory_space<vmem>>, vector<1x2048x128xf32>
    %get3A_5 = vector.shape_cast %get3A_4 : vector<1x2048x128xf32> to vector<2048x128xf32>
    %dot_general3A = arith.constant dense<0.000000e+00> : vector<128x2048xf32>
    %dot_general3A_6 = tpu.matmul %convert_element_type3A_1, %get3A_5, %dot_general3A {dimension_numbers = #tpu.dot_dimension_numbers<[1], [1], [0], [0], [0, 0, 1, 0], [], []>, transpose_lhs_hint = false} : vector<128x128xf32>, vector<2048x128xf32>, vector<128x2048xf32> -> vector<128x2048xf32>
    %slice3A = vector.extract_strided_slice %dot_general3A_6 {offsets = [0, 0], sizes = [64, 2048], strides = [1, 1]} : vector<128x2048xf32> to vector<64x2048xf32>
    %slice3A_7 = vector.extract_strided_slice %dot_general3A_6 {offsets = [64, 0], sizes = [64, 2048], strides = [1, 1]} : vector<128x2048xf32> to vector<64x2048xf32>
    %concatenate3A = tpu.concatenate %slice3A, %slice3A_7 in 1 : vector<64x2048xf32>, vector<64x2048xf32> -> vector<64x4096xf32>
    %swap3A = arith.constant 0 : index
    %swap3A_8 = arith.constant 0 : index
    %swap3A_9 = arith.constant 0 : index
    %swap3A_10 = vector.load %arg2[%swap3A, %swap3A_8, %swap3A_9] : memref<8x64x4096xf32, #tpu.memory_space<vmem>>, vector<1x64x4096xf32>
    %swap3A_11 = vector.shape_cast %swap3A_10 : vector<1x64x4096xf32> to vector<64x4096xf32>
    %swap3A_12 = vector.shape_cast %concatenate3A : vector<64x4096xf32> to vector<1x64x4096xf32>
    tpu.vector_store %arg2[%swap3A, %swap3A_8, %swap3A_9], %swap3A_12 {strides = array<i32>} : memref<8x64x4096xf32, #tpu.memory_space<vmem>>, vector<1x64x4096xf32>,
    %get3A_13 = arith.constant 1 : index
    %get3A_14 = arith.constant 0 : index
    %get3A_15 = arith.constant 0 : index
    %get3A_16 = vector.load %arg1[%get3A_13, %get3A_14, %get3A_15] : memref<8x2048x128xf32, #tpu.memory_space<vmem>>, vector<1x2048x128xf32>
    %get3A_17 = vector.shape_cast %get3A_16 : vector<1x2048x128xf32> to vector<2048x128xf32>
    %dot_general3A_18 = arith.constant dense<0.000000e+00> : vector<128x2048xf32>
    %dot_general3A_19 = tpu.matmul %convert_element_type3A_1, %get3A_17, %dot_general3A_18 {dimension_numbers = #tpu.dot_dimension_numbers<[1], [1], [0], [0], [0, 0, 1, 0], [], []>, transpose_lhs_hint = false} : vector<128x128xf32>, vector<2048x128xf32>, vector<128x2048xf32> -> vector<128x2048xf32>
    %slice3A_20 = vector.extract_strided_slice %dot_general3A_19 {offsets = [0, 0], sizes = [64, 2048], strides = [1, 1]} : vector<128x2048xf32> to vector<64x2048xf32>
    %slice3A_21 = vector.extract_strided_slice %dot_general3A_19 {offsets = [64, 0], sizes = [64, 2048], strides = [1, 1]} : vector<128x2048xf32> to vector<64x2048xf32>
    %concatenate3A_22 = tpu.concatenate %slice3A_20, %slice3A_21 in 1 : vector<64x2048xf32>, vector<64x2048xf32> -> vector<64x4096xf32>
    %swap3A_23 = arith.constant 1 : index
    %swap3A_24 = arith.constant 0 : index
    %swap3A_25 = arith.constant 0 : index
    %swap3A_26 = vector.load %arg2[%swap3A_23, %swap3A_24, %swap3A_25] : memref<8x64x4096xf32, #tpu.memory_space<vmem>>, vector<1x64x4096xf32>
    %swap3A_27 = vector.shape_cast %swap3A_26 : vector<1x64x4096xf32> to vector<64x4096xf32>
    %swap3A_28 = vector.shape_cast %concatenate3A_22 : vector<64x4096xf32> to vector<1x64x4096xf32>
    tpu.vector_store %arg2[%swap3A_23, %swap3A_24, %swap3A_25], %swap3A_28 {strides = array<i32>} : memref<8x64x4096xf32, #tpu.memory_space<vmem>>, vector<1x64x4096xf32>,
    %get3A_29 = arith.constant 2 : index
    %get3A_30 = arith.constant 0 : index
    %get3A_31 = arith.constant 0 : index
    %get3A_32 = vector.load %arg1[%get3A_29, %get3A_30, %get3A_31] : memref<8x2048x128xf32, #tpu.memory_space<vmem>>, vector<1x2048x128xf32>
    %get3A_33 = vector.shape_cast %get3A_32 : vector<1x2048x128xf32> to vector<2048x128xf32>
    %dot_general3A_34 = arith.constant dense<0.000000e+00> : vector<128x2048xf32>
    %dot_general3A_35 = tpu.matmul %convert_element_type3A_1, %get3A_33, %dot_general3A_34 {dimension_numbers = #tpu.dot_dimension_numbers<[1], [1], [0], [0], [0, 0, 1, 0], [], []>, transpose_lhs_hint = false} : vector<128x128xf32>, vector<2048x128xf32>, vector<128x2048xf32> -> vector<128x2048xf32>
    %slice3A_36 = vector.extract_strided_slice %dot_general3A_35 {offsets = [0, 0], sizes = [64, 2048], strides = [1, 1]} : vector<128x2048xf32> to vector<64x2048xf32>
    %slice3A_37 = vector.extract_strided_slice %dot_general3A_35 {offsets = [64, 0], sizes = [64, 2048], strides = [1, 1]} : vector<128x2048xf32> to vector<64x2048xf32>
    %concatenate3A_38 = tpu.concatenate %slice3A_36, %slice3A_37 in 1 : vector<64x2048xf32>, vector<64x2048xf32> -> vector<64x4096xf32>
    %swap3A_39 = arith.constant 2 : index
    %swap3A_40 = arith.constant 0 : index
    %swap3A_41 = arith.constant 0 : index
    %swap3A_42 = vector.load %arg2[%swap3A_39, %swap3A_40, %swap3A_41] : memref<8x64x4096xf32, #tpu.memory_space<vmem>>, vector<1x64x4096xf32>
    %swap3A_43 = vector.shape_cast %swap3A_42 : vector<1x64x4096xf32> to vector<64x4096xf32>
    %swap3A_44 = vector.shape_cast %concatenate3A_38 : vector<64x4096xf32> to vector<1x64x4096xf32>
    tpu.vector_store %arg2[%swap3A_39, %swap3A_40, %swap3A_41], %swap3A_44 {strides = array<i32>} : memref<8x64x4096xf32, #tpu.memory_space<vmem>>, vector<1x64x4096xf32>,
    %get3A_45 = arith.constant 3 : index
    %get3A_46 = arith.constant 0 : index
    %get3A_47 = arith.constant 0 : index
    %get3A_48 = vector.load %arg1[%get3A_45, %get3A_46, %get3A_47] : memref<8x2048x128xf32, #tpu.memory_space<vmem>>, vector<1x2048x128xf32>
    %get3A_49 = vector.shape_cast %get3A_48 : vector<1x2048x128xf32> to vector<2048x128xf32>
    %dot_general3A_50 = arith.constant dense<0.000000e+00> : vector<128x2048xf32>
    %dot_general3A_51 = tpu.matmul %convert_element_type3A_1, %get3A_49, %dot_general3A_50 {dimension_numbers = #tpu.dot_dimension_numbers<[1], [1], [0], [0], [0, 0, 1, 0], [], []>, transpose_lhs_hint = false} : vector<128x128xf32>, vector<2048x128xf32>, vector<128x2048xf32> -> vector<128x2048xf32>
    %slice3A_52 = vector.extract_strided_slice %dot_general3A_51 {offsets = [0, 0], sizes = [64, 2048], strides = [1, 1]} : vector<128x2048xf32> to vector<64x2048xf32>
    %slice3A_53 = vector.extract_strided_slice %dot_general3A_51 {offsets = [64, 0], sizes = [64, 2048], strides = [1, 1]} : vector<128x2048xf32> to vector<64x2048xf32>
    %concatenate3A_54 = tpu.concatenate %slice3A_52, %slice3A_53 in 1 : vector<64x2048xf32>, vector<64x2048xf32> -> vector<64x4096xf32>
    %swap3A_55 = arith.constant 3 : index
    %swap3A_56 = arith.constant 0 : index
    %swap3A_57 = arith.constant 0 : index
    %swap3A_58 = vector.load %arg2[%swap3A_55, %swap3A_56, %swap3A_57] : memref<8x64x4096xf32, #tpu.memory_space<vmem>>, vector<1x64x4096xf32>
    %swap3A_59 = vector.shape_cast %swap3A_58 : vector<1x64x4096xf32> to vector<64x4096xf32>
    %swap3A_60 = vector.shape_cast %concatenate3A_54 : vector<64x4096xf32> to vector<1x64x4096xf32>
    tpu.vector_store %arg2[%swap3A_55, %swap3A_56, %swap3A_57], %swap3A_60 {strides = array<i32>} : memref<8x64x4096xf32, #tpu.memory_space<vmem>>, vector<1x64x4096xf32>,
    %get3A_61 = arith.constant 4 : index
    %get3A_62 = arith.constant 0 : index
    %get3A_63 = arith.constant 0 : index
    %get3A_64 = vector.load %arg1[%get3A_61, %get3A_62, %get3A_63] : memref<8x2048x128xf32, #tpu.memory_space<vmem>>, vector<1x2048x128xf32>
    %get3A_65 = vector.shape_cast %get3A_64 : vector<1x2048x128xf32> to vector<2048x128xf32>
    %dot_general3A_66 = arith.constant dense<0.000000e+00> : vector<128x2048xf32>
    %dot_general3A_67 = tpu.matmul %convert_element_type3A_1, %get3A_65, %dot_general3A_66 {dimension_numbers = #tpu.dot_dimension_numbers<[1], [1], [0], [0], [0, 0, 1, 0], [], []>, transpose_lhs_hint = false} : vector<128x128xf32>, vector<2048x128xf32>, vector<128x2048xf32> -> vector<128x2048xf32>
    %slice3A_68 = vector.extract_strided_slice %dot_general3A_67 {offsets = [0, 0], sizes = [64, 2048], strides = [1, 1]} : vector<128x2048xf32> to vector<64x2048xf32>
    %slice3A_69 = vector.extract_strided_slice %dot_general3A_67 {offsets = [64, 0], sizes = [64, 2048], strides = [1, 1]} : vector<128x2048xf32> to vector<64x2048xf32>
    %concatenate3A_70 = tpu.concatenate %slice3A_68, %slice3A_69 in 1 : vector<64x2048xf32>, vector<64x2048xf32> -> vector<64x4096xf32>
    %swap3A_71 = arith.constant 4 : index
    %swap3A_72 = arith.constant 0 : index
    %swap3A_73 = arith.constant 0 : index
    %swap3A_74 = vector.load %arg2[%swap3A_71, %swap3A_72, %swap3A_73] : memref<8x64x4096xf32, #tpu.memory_space<vmem>>, vector<1x64x4096xf32>
    %swap3A_75 = vector.shape_cast %swap3A_74 : vector<1x64x4096xf32> to vector<64x4096xf32>
    %swap3A_76 = vector.shape_cast %concatenate3A_70 : vector<64x4096xf32> to vector<1x64x4096xf32>
    tpu.vector_store %arg2[%swap3A_71, %swap3A_72, %swap3A_73], %swap3A_76 {strides = array<i32>} : memref<8x64x4096xf32, #tpu.memory_space<vmem>>, vector<1x64x4096xf32>,
    %get3A_77 = arith.constant 5 : index
    %get3A_78 = arith.constant 0 : index
    %get3A_79 = arith.constant 0 : index
    %get3A_80 = vector.load %arg1[%get3A_77, %get3A_78, %get3A_79] : memref<8x2048x128xf32, #tpu.memory_space<vmem>>, vector<1x2048x128xf32>
    %get3A_81 = vector.shape_cast %get3A_80 : vector<1x2048x128xf32> to vector<2048x128xf32>
    %dot_general3A_82 = arith.constant dense<0.000000e+00> : vector<128x2048xf32>
    %dot_general3A_83 = tpu.matmul %convert_element_type3A_1, %get3A_81, %dot_general3A_82 {dimension_numbers = #tpu.dot_dimension_numbers<[1], [1], [0], [0], [0, 0, 1, 0], [], []>, transpose_lhs_hint = false} : vector<128x128xf32>, vector<2048x128xf32>, vector<128x2048xf32> -> vector<128x2048xf32>
    %slice3A_84 = vector.extract_strided_slice %dot_general3A_83 {offsets = [0, 0], sizes = [64, 2048], strides = [1, 1]} : vector<128x2048xf32> to vector<64x2048xf32>
    %slice3A_85 = vector.extract_strided_slice %dot_general3A_83 {offsets = [64, 0], sizes = [64, 2048], strides = [1, 1]} : vector<128x2048xf32> to vector<64x2048xf32>
    %concatenate3A_86 = tpu.concatenate %slice3A_84, %slice3A_85 in 1 : vector<64x2048xf32>, vector<64x2048xf32> -> vector<64x4096xf32>
    %swap3A_87 = arith.constant 5 : index
    %swap3A_88 = arith.constant 0 : index
    %swap3A_89 = arith.constant 0 : index
    %swap3A_90 = vector.load %arg2[%swap3A_87, %swap3A_88, %swap3A_89] : memref<8x64x4096xf32, #tpu.memory_space<vmem>>, vector<1x64x4096xf32>
    %swap3A_91 = vector.shape_cast %swap3A_90 : vector<1x64x4096xf32> to vector<64x4096xf32>
    %swap3A_92 = vector.shape_cast %concatenate3A_86 : vector<64x4096xf32> to vector<1x64x4096xf32>
    tpu.vector_store %arg2[%swap3A_87, %swap3A_88, %swap3A_89], %swap3A_92 {strides = array<i32>} : memref<8x64x4096xf32, #tpu.memory_space<vmem>>, vector<1x64x4096xf32>,
    %get3A_93 = arith.constant 6 : index
    %get3A_94 = arith.constant 0 : index
    %get3A_95 = arith.constant 0 : index
    %get3A_96 = vector.load %arg1[%get3A_93, %get3A_94, %get3A_95] : memref<8x2048x128xf32, #tpu.memory_space<vmem>>, vector<1x2048x128xf32>
    %get3A_97 = vector.shape_cast %get3A_96 : vector<1x2048x128xf32> to vector<2048x128xf32>
    %dot_general3A_98 = arith.constant dense<0.000000e+00> : vector<128x2048xf32>
    %dot_general3A_99 = tpu.matmul %convert_element_type3A_1, %get3A_97, %dot_general3A_98 {dimension_numbers = #tpu.dot_dimension_numbers<[1], [1], [0], [0], [0, 0, 1, 0], [], []>, transpose_lhs_hint = false} : vector<128x128xf32>, vector<2048x128xf32>, vector<128x2048xf32> -> vector<128x2048xf32>
    %slice3A_100 = vector.extract_strided_slice %dot_general3A_99 {offsets = [0, 0], sizes = [64, 2048], strides = [1, 1]} : vector<128x2048xf32> to vector<64x2048xf32>
    %slice3A_101 = vector.extract_strided_slice %dot_general3A_99 {offsets = [64, 0], sizes = [64, 2048], strides = [1, 1]} : vector<128x2048xf32> to vector<64x2048xf32>
    %concatenate3A_102 = tpu.concatenate %slice3A_100, %slice3A_101 in 1 : vector<64x2048xf32>, vector<64x2048xf32> -> vector<64x4096xf32>
    %swap3A_103 = arith.constant 6 : index
    %swap3A_104 = arith.constant 0 : index
    %swap3A_105 = arith.constant 0 : index
    %swap3A_106 = vector.load %arg2[%swap3A_103, %swap3A_104, %swap3A_105] : memref<8x64x4096xf32, #tpu.memory_space<vmem>>, vector<1x64x4096xf32>
    %swap3A_107 = vector.shape_cast %swap3A_106 : vector<1x64x4096xf32> to vector<64x4096xf32>
    %swap3A_108 = vector.shape_cast %concatenate3A_102 : vector<64x4096xf32> to vector<1x64x4096xf32>
    tpu.vector_store %arg2[%swap3A_103, %swap3A_104, %swap3A_105], %swap3A_108 {strides = array<i32>} : memref<8x64x4096xf32, #tpu.memory_space<vmem>>, vector<1x64x4096xf32>,
    %get3A_109 = arith.constant 7 : index
    %get3A_110 = arith.constant 0 : index
    %get3A_111 = arith.constant 0 : index
    %get3A_112 = vector.load %arg1[%get3A_109, %get3A_110, %get3A_111] : memref<8x2048x128xf32, #tpu.memory_space<vmem>>, vector<1x2048x128xf32>
    %get3A_113 = vector.shape_cast %get3A_112 : vector<1x2048x128xf32> to vector<2048x128xf32>
    %dot_general3A_114 = arith.constant dense<0.000000e+00> : vector<128x2048xf32>
    %dot_general3A_115 = tpu.matmul %convert_element_type3A_1, %get3A_113, %dot_general3A_114 {dimension_numbers = #tpu.dot_dimension_numbers<[1], [1], [0], [0], [0, 0, 1, 0], [], []>, transpose_lhs_hint = false} : vector<128x128xf32>, vector<2048x128xf32>, vector<128x2048xf32> -> vector<128x2048xf32>
    %slice3A_116 = vector.extract_strided_slice %dot_general3A_115 {offsets = [0, 0], sizes = [64, 2048], strides = [1, 1]} : vector<128x2048xf32> to vector<64x2048xf32>
    %slice3A_117 = vector.extract_strided_slice %dot_general3A_115 {offsets = [64, 0], sizes = [64, 2048], strides = [1, 1]} : vector<128x2048xf32> to vector<64x2048xf32>
    %concatenate3A_118 = tpu.concatenate %slice3A_116, %slice3A_117 in 1 : vector<64x2048xf32>, vector<64x2048xf32> -> vector<64x4096xf32>
    %swap3A_119 = arith.constant 7 : index
    %swap3A_120 = arith.constant 0 : index
    %swap3A_121 = arith.constant 0 : index
    %swap3A_122 = vector.load %arg2[%swap3A_119, %swap3A_120, %swap3A_121] : memref<8x64x4096xf32, #tpu.memory_space<vmem>>, vector<1x64x4096xf32>
    %swap3A_123 = vector.shape_cast %swap3A_122 : vector<1x64x4096xf32> to vector<64x4096xf32>
    %swap3A_124 = vector.shape_cast %concatenate3A_118 : vector<64x4096xf32> to vector<1x64x4096xf32>
    tpu.vector_store %arg2[%swap3A_119, %swap3A_120, %swap3A_121], %swap3A_124 {strides = array<i32>} : memref<8x64x4096xf32, #tpu.memory_space<vmem>>, vector<1x64x4096xf32>,
    return
  }
  func.func @transform_0(%arg0: i32) -> (i32, i32, i32) {
    %c0_i32 = arith.constant 0 : i32
    %c0_i32_0 = arith.constant 0 : i32
    %c0_i32_1 = arith.constant 0 : i32
    return %arg0, %c0_i32, %c0_i32_0 : i32, i32, i32
  }
  func.func @transform_1(%arg0: i32) -> (i32, i32, i32) {
    %c0_i32 = arith.constant 0 : i32
    %c0_i32_0 = arith.constant 0 : i32
    %c0_i32_1 = arith.constant 0 : i32
    return %arg0, %c0_i32, %c0_i32_0 : i32, i32, i32
  }
}

module attributes {stable_mosaic.version = 14 : i64} {
  func.func @body(%arg0: i32, %arg1: memref<64x16384xf32, #tpu.memory_space<vmem>>, %arg2: memref<64x16384xf32, #tpu.memory_space<vmem>>, %arg3: memref<16384x128xf32, #tpu.memory_space<vmem>>) attributes {dimension_semantics = [#tpu.dimension_semantics<arbitrary>], iteration_bounds = array<i64: 31>, scalar_prefetch = 0 : i64, scratch_operands = 0 : i64, tpu.core_type = #tpu.core_type<tc>, window_params = [{transform_indices = @transform_0, window_bounds = array<i64: 64, 16384>}, {transform_indices = @transform_1, window_bounds = array<i64: 64, 16384>}, {transform_indices = @transform_2, window_bounds = array<i64: 16384, 128>}]} {
    %iota3A = tpu.iota {dimensions = array<i32: 0>} : vector<128x128xi32>
    %iota3A_0 = tpu.iota {dimensions = array<i32: 1>} : vector<128x128xi32>
    %eq3A = arith.cmpi eq, %iota3A, %iota3A_0 : vector<128x128xi32>
    %convert_element_type3A = arith.extui %eq3A : vector<128x128xi1> to vector<128x128xi32>
    %convert_element_type3A_1 = arith.sitofp %convert_element_type3A : vector<128x128xi32> to vector<128x128xf32>
    %get3A = arith.constant 0 : index
    %get3A_2 = arith.constant 0 : index
    %get3A_3 = vector.load %arg1[%get3A, %get3A_2] : memref<64x16384xf32, #tpu.memory_space<vmem>>, vector<64x16384xf32>
    %get3A_4 = arith.constant 0 : index
    %get3A_5 = arith.constant 0 : index
    %get3A_6 = vector.load %arg2[%get3A_4, %get3A_5] : memref<64x16384xf32, #tpu.memory_space<vmem>>, vector<64x16384xf32>
    %concatenate3A = tpu.concatenate %get3A_3, %get3A_6 in 0 : vector<64x16384xf32>, vector<64x16384xf32> -> vector<128x16384xf32>
    %dot_general3A = arith.constant dense<0.000000e+00> : vector<16384x128xf32>
    %dot_general3A_7 = tpu.matmul %concatenate3A, %convert_element_type3A_1, %dot_general3A {dimension_numbers = #tpu.dot_dimension_numbers<[0], [0], [1], [1], [0, 1, 1, 1], [], []>, transpose_lhs_hint = false} : vector<128x16384xf32>, vector<128x128xf32>, vector<16384x128xf32> -> vector<16384x128xf32>
    %swap3A = arith.constant 0 : index
    %swap3A_8 = arith.constant 0 : index
    %swap3A_9 = vector.load %arg3[%swap3A, %swap3A_8] : memref<16384x128xf32, #tpu.memory_space<vmem>>, vector<16384x128xf32>
    tpu.vector_store %arg3[%swap3A, %swap3A_8], %dot_general3A_7 {strides = array<i32>} : memref<16384x128xf32, #tpu.memory_space<vmem>>, vector<16384x128xf32>,
    return
  }
  func.func @transform_0(%arg0: i32) -> (i32, i32) {
    %c0_i32 = arith.constant 0 : i32
    %c0_i32_0 = arith.constant 0 : i32
    return %c0_i32, %arg0 : i32, i32
  }
  func.func @transform_1(%arg0: i32) -> (i32, i32) {
    %add3A = arith.constant 31 : i32
    %add3A_0 = arith.addi %arg0, %add3A : i32
    %c0_i32 = arith.constant 0 : i32
    %c0_i32_1 = arith.constant 0 : i32
    return %c0_i32, %add3A_0 : i32, i32
  }
  func.func @transform_2(%arg0: i32) -> (i32, i32) {
    %c0_i32 = arith.constant 0 : i32
    %c0_i32_0 = arith.constant 0 : i32
    return %arg0, %c0_i32 : i32, i32
  }
}

</mosaic_0001>

<sc_bundles>
// kernel: kernel.5.cloned.1.call-start
scs
__scs_entry_jumppad:
0x0: {  	(pc) =	sbr.rel $0x88, $3  }
0x1: {  	(tag) =	ssettag $0x0;
	lr =	simm.s32 $0x1  }
0x2: {  	[smem:$0x3F9F] =	sst lr;
	_ =	strace $0xD0000000  }
0x3: {  	_ = 	snop  }
0x4: {  	_ = 	snop  }
0x5: {  	_ = 	snop  }
0x6: {  	_ = 	snop  }
0x7: {  	_ = 	snop  }
__scs_overlays_trampoline_lowered:
0x8: {  	[smem:$0x3FAE] =	sst s0  }
0x9: {  	[smem:$0x3FAF] =	sst s1  }
0xa: {  	[smem:$0x3FB0] =	sst s2  }
0xb: {  	[smem:$0x3FB1] =	sst s3  }
0xc: {  	[smem:$0x3FB2] =	sst s4  }
0xd: {  	[smem:$0x3FB3] =	sst s5  }
0xe: {  	[smem:$0x3FB4] =	sst s6  }
0xf: {  	[smem:$0x3FB5] =	sst s7  }
0x10: {  	[smem:$0x3FB6] =	sst s8  }
0x11: {  	[smem:$0x3FB7] =	sst s9;
	s0 =	simm.s32 @!p0 $0x0  }
0x12: {  	s1 =	sld [smem:$0x3F9D];
	s0 =	simm.s32 @p0 $0x1  }
0x13: {  	[smem:$0x3FB8] =	sst s0;
	s0 =	simm.s32 @!p1 $0x0  }
0x14: {  	s2 =	sld [smem:$0x3F9C];
	s0 =	simm.s32 @p1 $0x1  }
0x15: {  	[smem:$0x3FB9] =	sst s0;
	s0 =	simm.s32 @!p2 $0x0  }
0x16: {  	s3 =	sld [smem:$0x3FDB];
	s0 =	simm.s32 @p2 $0x1  }
0x17: {  	s4 =	simm.s32 $0x1BF5;
	[smem:$0x3FBB] =	sst s0  }
0x18: {  	s0 =	sld [smem:$0x3F9E];
	_ =	swait.ge [sflag:s4], $0x0  }
0x19: {  	s7 =	sld [smem:$0x3F9F]  }
0x1a: {  	s8 =	sadd.s32 $0xFFFFE003, lr  }
0x1b: {  	s9 =	sadd.s32 $0xFFFFFEF7, lr;
	s5 =	simm.s32 $0xFFFFFFFF;
	p2 =	slt.u32 s8, $0xFFFFF086  }
0x1c: {  	p1 =	slt.u32 s9, $0xF7A;
	s5 =	simm.s32 @!p2 $0x0  }
0x1d: {  	s5 =	simm.s32 @p1 $0x1;
	p0 =	seq.s32 s7, s2  }
0x1e: {  	s7 =	smul.u32 @!p0 $0xF7A, s2;
	p2 =	seq.s32 @!p0 s5, $0x0  }
0x1f: {  	s9 =	smul.u32 $0xF7A, s1;
	s8 =	simm.s32 @!p0 $0x1BF5;
	p2 =	por !p2, p0  }
0x20: {  	[sflag:s8] =	ssyncset.s32 @!p0 $0xFFFFF086;
	s6 =	sadd.s32 @!p0 s3, s7;
	s7 =	simm.s32 @!p0 $0x108  }
0x21: {  	s3 =	sadd.s32 s3, s9;
	s6 =	sadd.s32 @!p0 $0x88, s6;
	s7 =	simm.s32 @p2 $0x1082  }
0x22: {  	[simem:s7], [sflag:s8] =	dma.local @!p0 [hbm:s6], $0xF7A  }
0x23: {  	s9 =	sor.u32 $0xD0000000, s2;
	s6 =	simm.s32 $0x108;
	_ =	swait.ge @!p0 [sflag:s8], $0x0  }
0x24: {  	s3 =	sadd.s32 $0x88, s3;
	s6 =	simm.s32 @!p1 $0x1082;
	[sflag:s4] =	ssyncset.s32 $0xFFFFF086  }
0x25: {  	[simem:s6], [sflag:s4] =	dma.local [hbm:s3], $0xF7A  }
0x26: {  	[smem:$0x3F9F] =	sst s1;
	(tag) =	ssettag s2;
	_ =	strace s9  }
0x27: {  	s1 =	sld [smem:$0x3FAF]  }
0x28: {  	s2 =	sld [smem:$0x3FB0]  }
0x29: {  	s4 =	sld [smem:$0x3FB2]  }
0x2a: {  	p0 =	seq.s32 s5, $0x0;
	s5 =	sld [smem:$0x3FB3]  }
0x2b: {  	s6 =	sld [smem:$0x3FB4]  }
0x2c: {  	s7 =	sld [smem:$0x3FB5]  }
0x2d: {  	s3 =	simm.s32 $0x108;
	s8 =	sld [smem:$0x3FB6]  }
0x2e: {  	s3 =	simm.s32 @!p0 $0x1082;
	s9 =	sld [smem:$0x3FB7]  }
0x2f: {  	lr =	sadd.s32 s0, s3;
	s0 =	sld [smem:$0x3FAE]  }
0x30: {  	s3 =	sld [smem:$0x3FB1]  }
0x31: {  	[smem:$0x3FBA] =	sst s10  }
0x32: {  	s10 =	sld [smem:$0x3FB8];
	_ =	sdelay $0x3  }
0x33: {  	p0 =	seq.s32 s10, $0x1;
	s10 =	sld [smem:$0x3FBA];
	_ =	sdelay $0x3  }
0x34: {  	[smem:$0x3FBA] =	sst s10  }
0x35: {  	s10 =	sld [smem:$0x3FB9];
	_ =	sdelay $0x3  }
0x36: {  	p1 =	seq.s32 s10, $0x1;
	s10 =	sld [smem:$0x3FBA];
	_ =	sdelay $0x3  }
0x37: {  	[smem:$0x3FBA] =	sst s10  }
0x38: {  	s10 =	sld [smem:$0x3FBB]  }
0x39: {  	_ = 	snop;
	(pc) =	sbr.ind lr, $3  }
0x3a: {  	_ = 	snop  }
0x3b: {  	_ = 	snop  }
0x3c: {  	p2 =	seq.s32 s10, $0x1;
	s10 =	sld [smem:$0x3FBA]  }
0x3d: {  	_ =	shalt  }
0x3e: {  	_ =	shalt  }
0x3f: {  	_ =	shalt  }
0x40: {  	_ =	shalt  }
0x41: {  	_ =	shalt  }
0x42: {  	_ =	shalt  }
0x43: {  	_ =	shalt  }
0x44: {  	_ =	shalt  }
0x45: {  	_ =	shalt  }
0x46: {  	_ =	shalt  }
0x47: {  	_ =	shalt  }
0x48: {  	_ =	shalt  }
0x49: {  	_ =	shalt  }
0x4a: {  	_ =	shalt  }
0x4b: {  	_ =	shalt  }
0x4c: {  	_ =	shalt  }
0x4d: {  	_ =	shalt  }
0x4e: {  	_ =	shalt  }
0x4f: {  	_ =	shalt  }
0x50: {  	_ =	shalt  }
0x51: {  	_ =	shalt  }
0x52: {  	_ =	shalt  }
0x53: {  	_ =	shalt  }
0x54: {  	_ =	shalt  }
0x55: {  	_ =	shalt  }
0x56: {  	_ =	shalt  }
0x57: {  	_ =	shalt  }
0x58: {  	_ =	shalt  }
0x59: {  	_ =	shalt  }
0x5a: {  	_ =	shalt  }
0x5b: {  	_ =	shalt  }
0x5c: {  	_ =	shalt  }
0x5d: {  	_ =	shalt  }
0x5e: {  	_ =	shalt  }
0x5f: {  	_ =	shalt  }
0x60: {  	_ =	shalt  }
0x61: {  	_ =	shalt  }
0x62: {  	_ =	shalt  }
0x63: {  	_ =	shalt  }
0x64: {  	_ =	shalt  }
0x65: {  	_ =	shalt  }
0x66: {  	_ =	shalt  }
0x67: {  	_ =	shalt  }
0x68: {  	_ =	shalt  }
0x69: {  	_ =	shalt  }
0x6a: {  	_ =	shalt  }
0x6b: {  	_ =	shalt  }
0x6c: {  	_ =	shalt  }
0x6d: {  	_ =	shalt  }
0x6e: {  	_ =	shalt  }
0x6f: {  	_ =	shalt  }
0x70: {  	_ =	shalt  }
0x71: {  	_ =	shalt  }
0x72: {  	_ =	shalt  }
0x73: {  	_ =	shalt  }
0x74: {  	_ =	shalt  }
0x75: {  	_ =	shalt  }
0x76: {  	_ =	shalt  }
0x77: {  	_ =	shalt  }
0x78: {  	_ =	shalt  }
0x79: {  	_ =	shalt  }
0x7a: {  	_ =	shalt  }
0x7b: {  	_ =	shalt  }
0x7c: {  	_ =	shalt  }
0x7d: {  	_ =	shalt  }
0x7e: {  	_ =	shalt  }
0x7f: {  	_ =	shalt  }
0x80: {  	_ =	shalt  }
0x81: {  	_ =	shalt  }
0x82: {  	_ =	shalt  }
0x83: {  	_ =	shalt  }
0x84: {  	_ =	shalt  }
0x85: {  	_ =	shalt  }
0x86: {  	_ =	shalt  }
0x87: {  	_ =	shalt  }
.Lfunc_end0:
.L_simem_size_0:
called_computation_lowered:
.L_overlay_start_0:
0x88: {  	s2 =	sld [smem:$0x3FD9]  }
0x89: {  	s3 =	sld [smem:$0x3FFE];
	_ =	sdelay $0x1  }
0x8a: {  	s1 =	srdreg.scid  }
0x8b: {  	s0 =	sand.u32 $0x1, s1  }
0x8c: {  	s17 =	sshll.u32 s0, $0xA;
	s2 =	sadd.s32 s3, s2  }
0x8d: {  	s2 =	sadd.s32 s2, s17  }
0x8e: {  	[smem:$0x3FC6] =	sst s2  }
0x8f: {  	_ = 	snop  }
0x90: {  	s2 =	sld [smem:$0x3FD0];
	(tm) =	ssettm $0x1  }
0x91: {  	s18 =	sld [smem:$0x3FFB];
	_ =	sdelay $0x3  }
0x92: {  	_ =	strace s18  }
0x93: {  	s3 =	sld [smem:$0x3FFC];
	_ =	sdelay $0x3  }
0x94: {  	_ =	strace s3  }
0x95: {  	s3 =	sld [smem:$0x3FFD];
	_ =	sdelay $0x3  }
0x96: {  	_ =	strace s3  }
0x97: {  	_ =	strace $0x8FFFFFFF  }
0x98: {  	s19 =	sld [smem:$0x3FDB];
	_ =	sdelay $0x1  }
0x99: {  	s4 =	simm.s32 $_scs_section_size  }
0x9a: {  	s5 =	simm.s32 $_size__tile_overlayer_lowered;
	s6 =	simm.s32 $_tile_overlayer_lowered  }
0x9b: {  	s22 =	simm.s32 $0x1BFF;
	s21 =	sshll.u32 s6, $0x1;
	s3 =	sadd.s32 s4, s19  }
0x9c: {  	s7 =	simm.s32 $0x0;
	s20 =	sshll.u32 s5, $0x1;
	s5 =	sadd.s32 s21, s3  }
0x9d: {  	[timem:s7], [sflag:s22] =	dma.local [hbm:s5], s20  }
0x9e: {  	_ =	swait.ge [sflag:s22], s20  }
0x9f: {  	s4 =	ssub.s32 $0x0, s20;
	[sflag:s22] =	ssyncset.done $0x0  }
0xa0: {  	[sflag:s22] =	ssyncadd.s32 s4;
	_ =	sdelay $0x1  }
0xa1: {  	s23 =	simm.s32 $0x1B8B  }
0xa2: {  	_ =	swait.ge [sflag:s23], $0x1  }
0xa3: {  	[sflag:s23] =	ssyncset.done $0x0  }
0xa4: {  	s25 =	simm.s32 $0x1B8E;
	s24 =	sld [smem:$0x3FFE];
	[sflag:s23] =	ssyncadd.s32 $0xFFFFFFFF  }
0xa5: {  	s26 =	simm.s32 $execute0_lowered;
	[smem:$0x3FD2] =	sst s25  }
0xa6: {  	s5 =	sshll.u32 s26, $0x1;
	_ =	strace $0x80000046;
	[dreg:$0x1] =	wrdreg $0xFFFFFFFF  }
0xa7: {  	s28 =	simm.s32 $_size_execute0_lowered;
	s3 =	sadd.s32 s3, s5;
	[dreg:$0x0] =	wrdreg $0x0  }
0xa8: {  	s5 =	sshll.u32 s28, $0x1;
	[dreg:$0x2] =	wrdreg s3  }
0xa9: {  	[dreg:$0x3] =	wrdreg s5  }
0xaa: {  	[dreg:$0x4] =	wrdreg $0xC0  }
0xab: {  	_ =	task [dreg:s7], $0x5FFFF  }
0xac: {  	[dreg:$0x1] =	wrdreg $0xFFFFFFFF  }
0xad: {  	[dreg:$0x0] =	wrdreg $0x60  }
0xae: {  	[dreg:$0x2] =	wrdreg s2  }
0xaf: {  	[dreg:$0x3] =	wrdreg s24  }
0xb0: {  	[dreg:$0x4] =	wrdreg $0x9  }
0xb1: {  	_ =	task.clear_ibuf [dreg:s7], $0x5FFFF;
	_ =	strace $0x90000046  }
0xb2: {  	s29 =	simm.s32 $0x9;
	_ =	strace $0x80000048  }
0xb3: {  	_ =	swait.ge [sflag:s29], $0x1  }
0xb4: {  	[sflag:s29] =	ssyncadd.s32 $0xFFFFFFFF  }
0xb5: {  	_ =	strace $0x90000048  }
0xb6: {  	_ =	sfence  }
0xb7: {  	s30 =	sld [smem:$0x0];
	_ =	sdelay $0x2  }
0xb8: {  	s31 =	sshll.u32 s1, $0xD;
	s1 =	sshrl.u32 s1, $0x2  }
0xb9: {  	s3 =	sand.u32 $0x4000, s31;
	s1 =	sadd.s32 s1, s30  }
0xba: {  	s0 =	sor.u32 s3, s0;
	s1 =	sshll.u32 s1, $0x11  }
0xbb: {  	s0 =	sor.u32 s1, s0  }
0xbc: {  	s0 =	sadd.s32 $0x8F2B, s0  }
0xbd: {  	[sflag:s0] =	ssyncadd.remote.s32 $0x1  }
0xbe: {  	_ =	sfence.sel $0xFFFF  }
0xbf: {  	[dreg:$0x0] =	wrdreg $0xFFFFFFFF;
	(pc) =	sbr.abs _section_cstart, $3  }
0xc0: {  	[dreg:$0x1] =	wrdreg $0xFFFFFFFF  }
0xc1: {  	_ =	task.clear_ibuf [dreg:s7], $0x2FFFF;
	_ =	strace $0x9FFFFFFF  }
0xc2: {  	(tm) =	ssettm $0x7FFFFFFF  }
0xc3: {  	_ =	shalt  }
tec
execute0_lowered:
.L_overlay_start_1:
0x0: {  	(tag) =	ssettag $0x1  }
0x1: {  	s1 =	srdreg.scid  }
0x2: {  	s4 =	rddreg [dreg:$0x0];
	s0 =	stileid.u32  }
0x3: {  	s6 =	rddreg [dreg:$0x1];
	s2 =	simm.s32 $0x0;
	s10 =	simm.s32 $0x6400  }
0x4: {  	s11 =	simm.s32 $0x8400;
	s12 =	simm.s32 $0x100;
	s13 =	simm.s32 $0xA400  }
0x5: {  	s14 =	simm.s32 $0x180;
	s15 =	simm.s32 $0xC400;
	s16 =	simm.s32 $0x1  }
0x6: {  	s17 =	simm.s32 $0x40;
	s18 =	simm.s32 $0x3;
	s19 =	simm.s32 $0x4  }
0x7: {  	s20 =	simm.s32 $0x5;
	s21 =	simm.s32 $0x6;
	s22 =	simm.s32 $0x7  }
0x8: {  	s23 =	simm.s32 $0x8;
	s24 =	simm.s32 $0x0;
	s5 =	sand.u32 $0x1, s1  }
0x9: {  	s3 =	sshll.u32 s0, $0xC;
	[smem:$0x7FF] =	sst s2;
	s8 =	sshll.u32 s0, $0x8  }
0xa: {  	s31 =	sand.u32 $0x8, s0;
	s7 =	sshll.u32 s5, $0xB;
	_ =	strace $0x80000047  }
0xb: {  	s30 =	ssub.s32 $0x2, s5;
	s5 =	sshll.u32 s5, $0x7;
	s3 =	sor.u32 s7, s3  }
.Ltmp0:
0xc: {  	s9 =	sshrl.u32 s30, $0x1;
	s5 =	sor.u32 s5, s8;
	(pc) =	sbr.rel .LBB2_1-.Ltmp0, $4  }
0xd: {  	s8 =	simm.s32 $0x1000;
	s7 =	sand.u32 $0x7800, s3;
	s3 =	sadd.s32 $0x400, s6  }
0xe: {  	s5 =	sshrl.u32 s5, $0x3;
	s6 =	sadd.s32 s7, s6;
	s7 =	ssub.s32 s30, s9  }
0xf: {  	s4 =	sadd.s32 s4, s5;
	s9 =	simm.s32 $0x9;
	s6 =	sadd.s32 s31, s6  }
0x10: {  	s5 =	smax.u32 s7, $0x1;
	s7 =	simm.s32 $0x80;
	s6 =	sadd.s32 $0x7C0400, s6  }
.LBB2_6:
0x11: {  	_ =	swait.ge [sflag:s19], $0x2000  }
0x12: {  	[sflag:s19] =	ssyncset.done $0x0  }
0x13: {  	[sflag:s19] =	ssyncadd.s32 $0xFFFFE000  }
0x14: {  	[hbm4b:s28+s17] =	stream.strided.scatter [tilespmem:s15], [sflag:$0x8], $0x2000, s7, s17, $0x38;
	[tilespmem:$0xE400] =	vst v63  }
0x15: {  	_ =	swait.ge [sflag:s20], $0x2000  }
0x16: {  	[sflag:s20] =	ssyncset.done $0x0  }
0x17: {  	[sflag:s20] =	ssyncadd.s32 $0xFFFFE000  }
0x18: {  	_ =	swait.ge [sflag:s21], $0x2000  }
0x19: {  	[sflag:s21] =	ssyncset.done $0x0  }
0x1a: {  	s24 =	sadd.s32 $0x1, s24;
	[sflag:s21] =	ssyncadd.s32 $0xFFFFE000  }
0x1b: {  	p0 =	sne.s32 s24, s5;
	_ =	swait.ge [sflag:s22], $0x2000  }
.Ltmp1:
0x1c: {  	[sflag:s22] =	ssyncset.done $0x0;
	(pc) =	sbr.rel @!p0 .LBB2_7-.Ltmp1, $4  }
0x1d: {  	[sflag:s22] =	ssyncadd.s32 $0xFFFFE000  }
0x1e: {  	_ =	swait.ge [sflag:s23], $0x2000  }
0x1f: {  	[sflag:s23] =	ssyncset.done $0x0  }
0x20: {  	[sflag:s23] =	ssyncadd.s32 $0xFFFFE000  }
.LBB2_1:
0x21: {  	[tilespmem:s2], [sflag:$0x9] =	stream.strided.gather [hbm4b:s4+s7], $0x6400, s8, s7, $0x38;
	[tilespmem:$0xE400] =	vst v63  }
0x22: {  	_ =	swait.ge [sflag:s9], $0x6400  }
0x23: {  	[sflag:s9] =	ssyncset.done $0x0  }
0x24: {  	s25 =	simm.s32 $0x0;
	[sflag:s9] =	ssyncadd.s32 $0xFFFF9C00  }
0x25: {  	v1 =	vld [tilespmem:s25+$0x0]  }
0x26: {  	v2 =	vld [tilespmem:s25+$0x10]  }
0x27: {  	v7 =	vld [tilespmem:s25+$0x20]  }
0x28: {  	v3 =	vld [tilespmem:s25+$0x30];
	_ =	sdelay $0x2  }
0x29: {  	v0 =	vld [tilespmem:s25+$0x40];
	v5 =	vshll.u32 v1, $0x1  }
0x2a: {  	vm0 =	vlt.s32 v1, $0x7C000;
	v4 =	vshll.u32 v2, $0x1;
	v1 =	vld [tilespmem:s25+$0x50];
	vm1 =	vlt.s32 v7, $0x7C000  }
0x2b: {  	v7 =	vshll.u32 v7, $0x1;
	v8 =	vshll.u32 v3, $0x1;
	v6 =	vadd.s32 $0xFFF08001, v5  }
0x2c: {  	s26 =	simm.s32 $0x200;
	v5 =	vsel vm0, v5, v6;
	vm0 =	vlt.s32 v2, $0x7C000;
	v6 =	vadd.s32 $0xFFF08001, v4;
	v2 =	vld [tilespmem:s25+$0x60]  }
.LBB2_2:
0x2d: {  	p0 =	sne.s32 s26, $0x18E00;
	v9 =	vadd.s32 $0xFFF08001, v7;
	vm2 =	vlt.s32 v3, $0x7C000;
	v3 =	vadd.s32 $0xFFF08001, v8;
	v10 =	vld [tilespmem:s25+$0x70]  }
0x2e: {  	s28 =	sshra.s32 s26, $0x2;
	v4 =	vsel vm0, v4, v6;
	[tilespmem:s25+$0x0] =	vst v5;
	v5 =	vsel vm1, v7, v9;
	v3 =	vsel vm2, v8, v3  }
0x2f: {  	vm0 =	vlt.s32 v0, $0x7C000;
	v0 =	vshll.u32 v0, $0x1;
	v6 =	vld [tilespmem:s28+$0x0];
	[tilespmem:s25+$0x10] =	vst v4;
	v4 =	vshll.u32 v1, $0x1  }
0x30: {  	vm1 =	vlt.s32 v1, $0x7C000;
	v7 =	vld [tilespmem:s28+$0x10];
	[tilespmem:s25+$0x20] =	vst v5;
	v5 =	vadd.s32 $0xFFF08001, v0;
	v1 =	vadd.s32 $0xFFF08001, v4  }
0x31: {  	v8 =	vld [tilespmem:s28+$0x20];
	[tilespmem:s25+$0x30] =	vst v3;
	v0 =	vsel vm0, v0, v5;
	v1 =	vsel vm1, v4, v1;
	v4 =	vshll.u32 v2, $0x1  }
0x32: {  	vm0 =	vlt.s32 v2, $0x7C000;
	v3 =	vld [tilespmem:s28+$0x30];
	[tilespmem:s25+$0x40] =	vst v0;
	v0 =	vadd.s32 $0xFFF08001, v4;
	v2 =	vshll.u32 v10, $0x1  }
.Ltmp2:
0x33: {  	[tilespmem:s25+$0x50] =	vst v1;
	v1 =	vsel vm0, v4, v0;
	vm0 =	vlt.s32 v10, $0x7C000;
	v4 =	vadd.s32 $0xFFF08001, v2;
	(pc) =	sbr.rel @p0 .LBB2_2-.Ltmp2, $4  }
0x34: {  	v5 =	vshll.u32 v6, $0x1;
	v0 =	vld [tilespmem:s28+$0x40];
	[tilespmem:s25+$0x60] =	vst v1;
	v2 =	vsel vm0, v2, v4  }
0x35: {  	vm0 =	vlt.s32 v6, $0x7C000;
	v6 =	vadd.s32 $0xFFF08001, v5;
	v4 =	vshll.u32 v7, $0x1;
	v1 =	vld [tilespmem:s28+$0x50];
	[tilespmem:s25+$0x70] =	vst v2;
	s25 =	smov.u32 s28  }
0x36: {  	v5 =	vsel vm0, v5, v6;
	vm0 =	vlt.s32 v7, $0x7C000;
	v6 =	vadd.s32 $0xFFF08001, v4  }
0x37: {  	s26 =	sadd.s32 $0x200, s26;
	vm1 =	vlt.s32 v8, $0x7C000;
	v7 =	vshll.u32 v8, $0x1;
	v8 =	vshll.u32 v3, $0x1;
	v2 =	vld [tilespmem:s25+$0x60]  }
0x38: {  	v9 =	vadd.s32 $0xFFF08001, v7;
	vm2 =	vlt.s32 v3, $0x7C000;
	v53 =	vadd.s32 $0xFFF08001, v8;
	v10 =	vld [tilespmem:s25+$0x70]  }
0x39: {  	[tilespmem:s25+$0x0] =	vst v5;
	v4 =	vsel vm0, v4, v6;
	v54 =	vsel vm1, v7, v9;
	v3 =	vsel vm2, v8, v53  }
0x3a: {  	[tilespmem:s25+$0x10] =	vst v4;
	vm12 =	vlt.s32 v0, $0x7C000;
	v55 =	vshll.u32 v0, $0x1;
	v56 =	vshll.u32 v1, $0x1  }
0x3b: {  	[tilespmem:s25+$0x20] =	vst v54;
	v57 =	vadd.s32 $0xFFF08001, v55;
	vm13 =	vlt.s32 v1, $0x7C000;
	v58 =	vadd.s32 $0xFFF08001, v56  }
0x3c: {  	[tilespmem:s25+$0x30] =	vst v3;
	v0 =	vsel vm12, v55, v57;
	v1 =	vsel vm13, v56, v58;
	v59 =	vshll.u32 v2, $0x1  }
0x3d: {  	[tilespmem:s25+$0x40] =	vst v0;
	vm14 =	vlt.s32 v2, $0x7C000;
	v60 =	vadd.s32 $0xFFF08001, v59;
	v61 =	vshll.u32 v10, $0x1  }
0x3e: {  	[tilespmem:s25+$0x50] =	vst v1;
	vm15 =	vlt.s32 v10, $0x7C000;
	v0 =	vsel vm14, v59, v60;
	v62 =	vadd.s32 $0xFFF08001, v61  }
0x3f: {  	[tilespmem:s25+$0x60] =	vst v0;
	v63 =	vsel vm15, v61, v62  }
0x40: {  	[tilespmem:s25+$0x70] =	vst v63;
	s25 =	simm.s32 $0x0  }
0x41: {  	[tilespmem:s10], [sflag:$0x1] =	stream.indirect.gather [hbm4b:s3+s7], $0x40, s25, s7, $0xb8;
	[tilespmem:$0xE400] =	vst v63  }
0x42: {  	_ = 	snop  }
0x43: {  	[tilespmem:s11], [sflag:$0x2] =	stream.indirect.gather [hbm4b:s3+s7], $0x40, s7, s7, $0xb8;
	[tilespmem:$0xE400] =	vst v63  }
0x44: {  	_ = 	snop  }
0x45: {  	[tilespmem:s13], [sflag:$0x3] =	stream.indirect.gather [hbm4b:s3+s7], $0x40, s12, s7, $0xb8;
	[tilespmem:$0xE400] =	vst v63  }
0x46: {  	s26 =	simm.s32 $0x380  }
0x47: {  	[tilespmem:s15], [sflag:$0x4] =	stream.indirect.gather [hbm4b:s3+s7], $0x40, s14, s7, $0xb8;
	[tilespmem:$0xE400] =	vst v63  }
.LBB2_4:
0x48: {  	_ =	swait.ge [sflag:s16], $0x2000  }
0x49: {  	p0 =	seq.s32 s25, $0x620000;
	[sflag:s16] =	ssyncset.done $0x0  }
0x4a: {  	s28 =	sadd.s32 s25, s6;
	s29 =	simm.s32 @p0 $0x2;
	[sflag:s16] =	ssyncadd.s32 $0xFFFFE000  }
0x4b: {  	[hbm4b:s28+s17] =	stream.strided.scatter [tilespmem:s10], [sflag:$0x5], $0x2000, s7, s17, $0x38;
	[tilespmem:$0xE400] =	vst v63  }
0x4c: {  	s30 =	sadd.s32 @p0 s25, s6;
	_ =	swait.ge @p0 [sflag:s29], $0x2000  }
0x4d: {  	s31 =	simm.s32 @p0 $0x80;
	s1 =	simm.s32 @p0 $0x8400;
	[sflag:s29] =	ssyncset.done @p0 $0x0  }
0x4e: {  	[sflag:s29] =	ssyncadd.s32 @p0 $0xFFFFE000;
	s29 =	sadd.s32 @p0 $0x8000, s30;
	s30 =	simm.s32 @p0 $0x40  }
0x4f: {  	[hbm4b:s29+s30] =	stream.strided.scatter @p0 [tilespmem:s1], [sflag:$0x6], $0x2000, s31, s30, $0x38;
	[tilespmem:$0xE400] =	vst v63  }
0x50: {  	s1 =	simm.s32 @!p0 $0x5  }
0x51: {  	_ =	swait.ge @!p0 [sflag:s1], $0x2000  }
0x52: {  	s29 =	simm.s32 @!p0 $0x80;
	[sflag:s1] =	ssyncset.done @!p0 $0x0  }
0x53: {  	s30 =	simm.s32 @!p0 $0x6400;
	[sflag:s1] =	ssyncadd.s32 @!p0 $0xFFFFE000;
	s1 =	sadd.s32 @!p0 $0xFFFFFE80, s26  }
0x54: {  	[tilespmem:s30], [sflag:$0x1] =	stream.indirect.gather @!p0 [hbm4b:s3+s29], $0x40, s1, s29, $0xb8;
	[tilespmem:$0xE400] =	vst v63  }
0x55: {  	s1 =	simm.s32 @!p0 $0x2  }
0x56: {  	_ =	swait.ge @!p0 [sflag:s1], $0x2000  }
0x57: {  	[sflag:s1] =	ssyncset.done @!p0 $0x0  }
0x58: {  	[sflag:s1] =	ssyncadd.s32 @!p0 $0xFFFFE000;
	s1 =	sadd.s32 @!p0 s25, s6  }
0x59: {  	s31 =	simm.s32 @!p0 $0x8400;
	s30 =	simm.s32 @!p0 $0x40;
	s1 =	sadd.s32 @!p0 $0x8000, s1  }
0x5a: {  	[hbm4b:s1+s30] =	stream.strided.scatter @!p0 [tilespmem:s31], [sflag:$0x6], $0x2000, s29, s30, $0x38;
	[tilespmem:$0xE400] =	vst v63  }
0x5b: {  	s1 =	simm.s32 @!p0 $0x6  }
0x5c: {  	_ =	swait.ge @!p0 [sflag:s1], $0x2000  }
0x5d: {  	[sflag:s1] =	ssyncset.done @!p0 $0x0  }
0x5e: {  	[sflag:s1] =	ssyncadd.s32 @!p0 $0xFFFFE000;
	s1 =	sadd.s32 @!p0 $0xFFFFFF00, s26  }
0x5f: {  	[tilespmem:s31], [sflag:$0x2] =	stream.indirect.gather @!p0 [hbm4b:s3+s29], $0x40, s1, s29, $0xb8;
	[tilespmem:$0xE400] =	vst v63  }
.Ltmp3:
0x60: {  	_ = 	snop;
	(pc) =	sbr.rel @p0 .LBB2_6-.Ltmp3, $4  }
0x61: {  	_ =	swait.ge [sflag:s18], $0x2000  }
0x62: {  	[sflag:s18] =	ssyncset.done $0x0  }
0x63: {  	s31 =	sadd.s32 $0x10000, s28;
	s28 =	sadd.s32 $0x18000, s28;
	[sflag:s18] =	ssyncadd.s32 $0xFFFFE000  }
0x64: {  	[hbm4b:s31+s17] =	stream.strided.scatter [tilespmem:s13], [sflag:$0x7], $0x2000, s7, s17, $0x38;
	[tilespmem:$0xE400] =	vst v63  }
0x65: {  	_ =	swait.ge [sflag:s22], $0x2000  }
0x66: {  	[sflag:s22] =	ssyncset.done $0x0  }
0x67: {  	s1 =	sadd.s32 $0xFFFFFF80, s26;
	[sflag:s22] =	ssyncadd.s32 $0xFFFFE000  }
0x68: {  	[tilespmem:s13], [sflag:$0x3] =	stream.indirect.gather [hbm4b:s3+s7], $0x40, s1, s7, $0xb8;
	[tilespmem:$0xE400] =	vst v63  }
0x69: {  	_ =	swait.ge [sflag:s19], $0x2000  }
0x6a: {  	[sflag:s19] =	ssyncset.done $0x0  }
0x6b: {  	[sflag:s19] =	ssyncadd.s32 $0xFFFFE000  }
0x6c: {  	[hbm4b:s28+s17] =	stream.strided.scatter [tilespmem:s15], [sflag:$0x8], $0x2000, s7, s17, $0x38;
	[tilespmem:$0xE400] =	vst v63  }
.Ltmp4:
0x6d: {  	_ =	swait.ge [sflag:s23], $0x2000;
	(pc) =	sbr.rel .LBB2_4-.Ltmp4, $4  }
0x6e: {  	[sflag:s23] =	ssyncset.done $0x0  }
0x6f: {  	[sflag:s23] =	ssyncadd.s32 $0xFFFFE000  }
0x70: {  	[tilespmem:s15], [sflag:$0x4] =	stream.indirect.gather [hbm4b:s3+s7], $0x40, s26, s7, $0xb8;
	[tilespmem:$0xE400] =	vst v63  }
0x71: {  	s25 =	sadd.s32 $0x20000, s25;
	s26 =	sadd.s32 $0x200, s26  }
.LBB2_7:
0x72: {  	_ =	sfence.sel $0x180000  }
0x73: {  	[bflag:$0x0] =	sbarrier.arrive $0xFFFF  }
0x74: {  	_ =	strace $0x90000047  }
0x75: {  	[bflag:$0x2] =	sbarrier.arrive $0xFFFF  }
0x76: {  	p0 =	sne.s32 s0, $0x0;
	s0 =	rddreg [dreg:$0x2]  }
0x77: {  	s0 =	sadd.s32 @!p0 $0x100000, s0  }
0x78: {  	[sflag:s0] =	ssyncadd.tile.s32 @!p0 $0x1;
	_ =	shalt  }
.Lfunc_end2:
_tile_overlayer_lowered:
.L_overlay_start_2:
0x79: {  	(tag) =	ssettag $0x2  }
0x7a: {  	s0 =	rddreg [dreg:$0x0];
	s2 =	stileid.u32  }
0x7b: {  	s1 =	rddreg [dreg:$0x1];
	p0 =	sne.s32 s2, $0x0  }
0x7c: {  	s3 =	rddreg [dreg:$0x2];
	[bflag:$0x3] =	sbarrier.arrive $0xFFFF;
	s2 =	simm.s32 @!p0 $0x1C09  }
0x7d: {  	[timem:s3], [sflag:s2] =	dma.local @!p0 [hbm:s0], s1  }
0x7e: {  	s0 =	simm.s32 @!p0 $0x9  }
0x7f: {  	_ =	swait.ge @!p0 [sflag:s0], s1  }
0x80: {  	s1 =	ssub.s32 @!p0 $0x0, s1;
	[sflag:s0] =	ssyncset.done @!p0 $0x0  }
0x81: {  	[sflag:s0] =	ssyncadd.s32 @!p0 s1  }
0x82: {  	[bflag:$0x3] =	sbarrier.arrive $0xFFFF  }
0x83: {  	_ =	shalt  }

</sc_bundles>
